<compile_context>
chip_gen: v7x
topology: tpu7x:2x2x1
jax: 0.10.2.dev20260603
libtpu: 0.0.44.dev20260713+nightly
codegen_flags: <defaults>
</compile_context>

<pallas_src>
import functools

import jax
import jax.numpy as jnp
from jax import lax
from jax.experimental import pallas as pl
from jax.experimental.pallas import tpu as pltpu
from jax.experimental.pallas import tpu_sc as plsc

B = 16384
F = 26
V = 100000
D = 32
C = F * D
NBAND = C // 8
ROUNDS = NBAND // 2
BH = B // 2
VA = 99968
PIECES = (20096, 20096, 20096, 20096, 19584)


def _gather_kernel(table_hbm, idx_hbm, tail_hbm, out_hbm, inb, outb, row_v,
                   idxb, out_v, sem):
    cid = lax.axis_index("c")
    sid = lax.axis_index("s")

    def round_body(r, carry):
        gb = cid * ROUNDS + r

        rb = pl.multiple_of(gb * 8, 8)
        sub = sid & 7
        bhalf = sid >> 3
        c = gb * 8 + sub
        off = 0
        for pw in PIECES:
            @pl.when(sid == 0)
            def _():
                pltpu.sync_copy(table_hbm.at[pl.ds(rb, 8), pl.ds(off, pw)],
                                inb.at[:, pl.ds(0, pw)])
            plsc.subcore_barrier()
            pltpu.sync_copy(inb.at[sub, pl.ds(0, pw)],
                            row_v.at[pl.ds(off, pw)])
            plsc.subcore_barrier()
            off += pw
        tb = pl.multiple_of(c * 32, 8)
        pltpu.sync_copy(tail_hbm.at[pl.ds(tb, 32)], row_v.at[pl.ds(VA, 32)])
        f = c >> 5
        ib = pl.multiple_of(f * B + bhalf * BH, 8)
        pltpu.sync_copy(idx_hbm.at[pl.ds(ib, BH)], idxb)

        def gather_body(i, carry2):
            for k in range(16):
                ids = idxb[pl.ds(i * 256 + k * 16, 16)]
                vals = plsc.load_gather(row_v, [ids])
                out_v[pl.ds(i * 256 + k * 16, 16)] = vals
            return carry2

        lax.fori_loop(0, BH // 256, gather_body, 0)
        @pl.when(bhalf == 0)
        def _():
            pltpu.sync_copy(out_v, outb.at[sub])

        plsc.subcore_barrier()

        @pl.when(sid == 0)
        def _():
            pltpu.sync_copy(outb, out_hbm.at[pl.ds(rb, 8), pl.ds(0, BH)])

        plsc.subcore_barrier()

        @pl.when(bhalf == 1)
        def _():
            pltpu.sync_copy(out_v, outb.at[sub])

        plsc.subcore_barrier()

        @pl.when(sid == 8)
        def _():
            pltpu.sync_copy(outb, out_hbm.at[pl.ds(rb, 8), pl.ds(BH, BH)])

        return carry

    lax.fori_loop(0, ROUNDS, round_body, 0)


def kernel(indices, tables):
    rows = tables.transpose(0, 2, 1).reshape(C, V)
    tail = tables[:, VA:, :].transpose(0, 2, 1).reshape(C * (V - VA))
    idx_t = indices.T.reshape(F * B)
    mesh = plsc.VectorSubcoreMesh(core_axis_name="c", subcore_axis_name="s")
    run = functools.partial(
        pl.kernel,
        mesh=mesh,
        out_type=jax.ShapeDtypeStruct((C, B), jnp.float32),
        scratch_types=[
            pltpu.VMEM_SHARED((8, 20096), jnp.float32),
            pltpu.VMEM_SHARED((8, BH), jnp.float32),
            pltpu.VMEM((V,), jnp.float32),
            pltpu.VMEM((BH,), jnp.int32),
            pltpu.VMEM((BH,), jnp.float32),
            pltpu.SemaphoreType.DMA,
        ],
        compiler_params=pltpu.CompilerParams(needs_layout_passes=False),
    )(_gather_kernel)
    out = run(rows, idx_t, tail)
    return out.T

# --- scband reference (transcript-rebuilt; emitter-appended) ---
"""Pipeline reference for scband-dense-features-compat-31336081392172 (READ-ONLY COPY).

The authoritative reference and input builder live on the scoring server;
editing this copy changes nothing except your own understanding.
"""

import jax, jax.numpy as jnp
import numpy as np

B = 16384   # batch
F = 26      # n_sparse_fields
V = 100000  # vocab per field
D = 32      # embedding_dim


def setup_inputs(seed: int = 0) -> dict:
    key = jax.random.key(seed)
    k1, k2 = jax.random.split(key)
    # categorical ids for each of the F sparse fields
    indices = jax.random.randint(k1, (B, F), 0, V, dtype=jnp.int32)
    # learned embedding tables, one per feature column (stacked)
    tables = jax.random.normal(k2, (F, V, D), dtype=jnp.float32) * 0.05
    return {"indices": indices, "tables": tables}


def reference(indices, tables):
    # Faithful translation of DenseFeatures over F embedding_columns:
    # each field's id is looked up in its own table, results are concatenated
    # along the feature axis in column order -> [B, F*D].
    F_, V_, D_ = tables.shape
    B_ = indices.shape[0]
    flat_tables = tables.reshape(F_ * V_, D_)
    # offset each field's ids into the stacked table
    offsets = (jnp.arange(F_, dtype=indices.dtype) * V_)[None, :]
    flat_idx = (indices + offsets).reshape(-1)
    emb = jnp.take(flat_tables, flat_idx, axis=0)  # [B*F, D] gather (SparseCore-mappable)
    return emb.reshape(B_, F_ * D_)

if __name__ == "__main__":
    import jax
    _d = setup_inputs()
    print(jax.jit(kernel)(*tuple(_d.values())))

</pallas_src>

<mosaic_0001>
#map = affine_map<(d0, d1) -> (0, 0)>
#map1 = affine_map<(d0, d1) -> (0)>
module attributes {stable_mosaic.version = 14 : i64} {
  func.func @_gather_kernel(%arg0: i32, %arg1: i32, %arg2: memref<832x100000xf32, #tpu.memory_space<hbm>>, %arg3: memref<425984xi32, #tpu.memory_space<hbm>>, %arg4: memref<26624xf32, #tpu.memory_space<hbm>>, %arg5: memref<832x16384xf32, #tpu.memory_space<hbm>>, %arg6: memref<8x20096xf32, #tpu.memory_space<vmem_shared>>, %arg7: memref<8x8192xf32, #tpu.memory_space<vmem_shared>>, %arg8: memref<100000xf32, #tpu.memory_space<vmem>>, %arg9: memref<8192xi32, #tpu.memory_space<vmem>>, %arg10: memref<8192xf32, #tpu.memory_space<vmem>>, %arg11: memref<!tpu.dma_semaphore, #tpu.memory_space<semaphore_mem>>) attributes {dimension_semantics = [#tpu.dimension_semantics<core_parallel>, #tpu.dimension_semantics<subcore_parallel>], iteration_bounds = array<i64: 2, 16>, scalar_prefetch = 0 : i64, scratch_operands = 6 : i64, tpu.core_type = #tpu.core_type<sc_vector_subcore>, window_params = [{transform_indices = #map}, {transform_indices = #map1}, {transform_indices = #map1}, {transform_indices = #map}]} {
    %scan3A = arith.constant 0 : i32
    %scan3A_0 = arith.constant 0 : i32
    %scan3A_1 = arith.constant 52 : i32
    %scan3A_2 = arith.addi %scan3A_0, %scan3A_1 : i32
    %scan3A_3 = arith.constant 1 : i32
    scf.for %scan3A_5 = %scan3A_0 to %scan3A_2 step %scan3A_3  : i32 {
      %mul3A = arith.constant 52 : i32
      %mul3A_6 = arith.muli %arg0, %mul3A : i32
      %add3A = arith.addi %mul3A_6, %scan3A_5 : i32
      %mul3A_7 = arith.constant 8 : i32
      %mul3A_8 = arith.muli %add3A, %mul3A_7 : i32
      %multiple_of3A = tpu.assume_multiple %mul3A_8, 8 : i32
      %and3A = arith.constant 7 : i32
      %and3A_9 = arith.andi %arg1, %and3A : i32
      %shift_right_arithmetic3A = arith.constant 3 : i32
      %shift_right_arithmetic3A_10 = arith.shrsi %arg1, %shift_right_arithmetic3A : i32
      %mul3A_11 = arith.constant 8 : i32
      %mul3A_12 = arith.muli %add3A, %mul3A_11 : i32
      %add3A_13 = arith.addi %mul3A_12, %and3A_9 : i32
      %eq3A = arith.constant 0 : i32
      %eq3A_14 = arith.cmpi eq, %arg1, %eq3A : i32
      %convert_element_type3A = arith.extui %eq3A_14 : i1 to i32
      %cond3A = arith.constant 0 : i32
      %cond3A_15 = arith.cmpi ne, %convert_element_type3A, %cond3A : i32
      scf.if %cond3A_15 {
        "tpu.region"() ({
          %run_scoped3A = tpu.sem_alloc : memref<!tpu.dma_semaphore, #tpu.memory_space<semaphore_mem>>
          %dma_start3A = arith.constant 0 : i32
          %dma_start3A_85 = arith.constant 0 : i32
          %dma_start3A_86 = tpu.memref_slice %arg6[%dma_start3A, %dma_start3A_85] : memref<8x20096xf32, #tpu.memory_space<vmem_shared>> -> memref<8x20096xf32, #tpu.memory_space<vmem_shared>>
          %dma_start3A_87 = arith.constant 0 : i32
          %dma_start3A_88 = tpu.memref_slice %arg2[%multiple_of3A, %dma_start3A_87] : memref<832x100000xf32, #tpu.memory_space<hbm>> -> memref<8x20096xf32, #tpu.memory_space<hbm>>
          tpu.enqueue_dma source(%dma_start3A_88 : memref<8x20096xf32, #tpu.memory_space<hbm>>) target(%dma_start3A_86 : memref<8x20096xf32, #tpu.memory_space<vmem_shared>>) target_semaphore(%run_scoped3A : memref<!tpu.dma_semaphore, #tpu.memory_space<semaphore_mem>>)
          %dma_wait3A = arith.constant 0 : i32
          %dma_wait3A_89 = arith.constant 0 : i32
          %dma_wait3A_90 = tpu.memref_slice %arg6[%dma_wait3A, %dma_wait3A_89] : memref<8x20096xf32, #tpu.memory_space<vmem_shared>> -> memref<8x20096xf32, #tpu.memory_space<vmem_shared>>
          %dma_wait3A_91 = arith.constant 0 : i32
          %dma_wait3A_92 = tpu.memref_slice %arg2[%multiple_of3A, %dma_wait3A_91] : memref<832x100000xf32, #tpu.memory_space<hbm>> -> memref<8x20096xf32, #tpu.memory_space<hbm>>
          tpu.wait_dma2 semaphore(%run_scoped3A : memref<!tpu.dma_semaphore, #tpu.memory_space<semaphore_mem>>) src(%dma_wait3A_92 : memref<8x20096xf32, #tpu.memory_space<hbm>>) dst(%dma_wait3A_90 : memref<8x20096xf32, #tpu.memory_space<vmem_shared>>)
          tpu.yield
        }) : () -> ()
      } else {
      }
      %barrier3A = arith.constant 0 : index
      tpu.barrier barrier_id(%barrier3A)
      "tpu.region"() ({
        %run_scoped3A = tpu.sem_alloc : memref<!tpu.dma_semaphore, #tpu.memory_space<semaphore_mem>>
        %dma_start3A = arith.constant 0 : i32
        %dma_start3A_85 = tpu.memref_slice %arg8[%dma_start3A] : memref<100000xf32, #tpu.memory_space<vmem>> -> memref<20096xf32, #tpu.memory_space<vmem>>
        %dma_start3A_86 = arith.constant 0 : i32
        %dma_start3A_87 = tpu.memref_slice %arg6[%and3A_9, %dma_start3A_86] : memref<8x20096xf32, #tpu.memory_space<vmem_shared>> -> memref<1x20096xf32, #tpu.memory_space<vmem_shared>>
        %dma_start3A_88 = tpu.memref_squeeze %dma_start3A_87 : memref<1x20096xf32, #tpu.memory_space<vmem_shared>> -> memref<20096xf32, #tpu.memory_space<vmem_shared>>
        %dma_start3A_89 = arith.constant 0 : i32
        %dma_start3A_90 = tpu.memref_slice %arg8[%dma_start3A_89] : memref<100000xf32, #tpu.memory_space<vmem>> -> memref<20096xf32, #tpu.memory_space<vmem>>
        %dma_start3A_91 = arith.constant 0 : i32
        %dma_start3A_92 = tpu.memref_slice %arg6[%and3A_9, %dma_start3A_91] : memref<8x20096xf32, #tpu.memory_space<vmem_shared>> -> memref<1x20096xf32, #tpu.memory_space<vmem_shared>>
        %dma_start3A_93 = tpu.memref_squeeze %dma_start3A_92 : memref<1x20096xf32, #tpu.memory_space<vmem_shared>> -> memref<20096xf32, #tpu.memory_space<vmem_shared>>
        tpu.enqueue_dma source(%dma_start3A_93 : memref<20096xf32, #tpu.memory_space<vmem_shared>>) target(%dma_start3A_90 : memref<20096xf32, #tpu.memory_space<vmem>>) target_semaphore(%run_scoped3A : memref<!tpu.dma_semaphore, #tpu.memory_space<semaphore_mem>>)
        %dma_wait3A = arith.constant 0 : i32
        %dma_wait3A_94 = tpu.memref_slice %arg8[%dma_wait3A] : memref<100000xf32, #tpu.memory_space<vmem>> -> memref<20096xf32, #tpu.memory_space<vmem>>
        %dma_wait3A_95 = arith.constant 0 : i32
        %dma_wait3A_96 = tpu.memref_slice %arg6[%and3A_9, %dma_wait3A_95] : memref<8x20096xf32, #tpu.memory_space<vmem_shared>> -> memref<1x20096xf32, #tpu.memory_space<vmem_shared>>
        %dma_wait3A_97 = tpu.memref_squeeze %dma_wait3A_96 : memref<1x20096xf32, #tpu.memory_space<vmem_shared>> -> memref<20096xf32, #tpu.memory_space<vmem_shared>>
        %dma_wait3A_98 = arith.constant 0 : i32
        %dma_wait3A_99 = tpu.memref_slice %arg8[%dma_wait3A_98] : memref<100000xf32, #tpu.memory_space<vmem>> -> memref<20096xf32, #tpu.memory_space<vmem>>
        %dma_wait3A_100 = arith.constant 0 : i32
        %dma_wait3A_101 = tpu.memref_slice %arg6[%and3A_9, %dma_wait3A_100] : memref<8x20096xf32, #tpu.memory_space<vmem_shared>> -> memref<1x20096xf32, #tpu.memory_space<vmem_shared>>
        %dma_wait3A_102 = tpu.memref_squeeze %dma_wait3A_101 : memref<1x20096xf32, #tpu.memory_space<vmem_shared>> -> memref<20096xf32, #tpu.memory_space<vmem_shared>>
        tpu.wait_dma2 semaphore(%run_scoped3A : memref<!tpu.dma_semaphore, #tpu.memory_space<semaphore_mem>>) src(%dma_wait3A_102 : memref<20096xf32, #tpu.memory_space<vmem_shared>>) dst(%dma_wait3A_99 : memref<20096xf32, #tpu.memory_space<vmem>>)
        tpu.yield
      }) : () -> ()
      %barrier3A_16 = arith.constant 0 : index
      tpu.barrier barrier_id(%barrier3A_16)
      %eq3A_17 = arith.constant 0 : i32
      %eq3A_18 = arith.cmpi eq, %arg1, %eq3A_17 : i32
      %convert_element_type3A_19 = arith.extui %eq3A_18 : i1 to i32
      %cond3A_20 = arith.constant 0 : i32
      %cond3A_21 = arith.cmpi ne, %convert_element_type3A_19, %cond3A_20 : i32
      scf.if %cond3A_21 {
        "tpu.region"() ({
          %run_scoped3A = tpu.sem_alloc : memref<!tpu.dma_semaphore, #tpu.memory_space<semaphore_mem>>
          %dma_start3A = arith.constant 0 : i32
          %dma_start3A_85 = arith.constant 0 : i32
          %dma_start3A_86 = tpu.memref_slice %arg6[%dma_start3A, %dma_start3A_85] : memref<8x20096xf32, #tpu.memory_space<vmem_shared>> -> memref<8x20096xf32, #tpu.memory_space<vmem_shared>>
          %dma_start3A_87 = arith.constant 20096 : i32
          %dma_start3A_88 = tpu.memref_slice %arg2[%multiple_of3A, %dma_start3A_87] : memref<832x100000xf32, #tpu.memory_space<hbm>> -> memref<8x20096xf32, #tpu.memory_space<hbm>>
          tpu.enqueue_dma source(%dma_start3A_88 : memref<8x20096xf32, #tpu.memory_space<hbm>>) target(%dma_start3A_86 : memref<8x20096xf32, #tpu.memory_space<vmem_shared>>) target_semaphore(%run_scoped3A : memref<!tpu.dma_semaphore, #tpu.memory_space<semaphore_mem>>)
          %dma_wait3A = arith.constant 0 : i32
          %dma_wait3A_89 = arith.constant 0 : i32
          %dma_wait3A_90 = tpu.memref_slice %arg6[%dma_wait3A, %dma_wait3A_89] : memref<8x20096xf32, #tpu.memory_space<vmem_shared>> -> memref<8x20096xf32, #tpu.memory_space<vmem_shared>>
          %dma_wait3A_91 = arith.constant 20096 : i32
          %dma_wait3A_92 = tpu.memref_slice %arg2[%multiple_of3A, %dma_wait3A_91] : memref<832x100000xf32, #tpu.memory_space<hbm>> -> memref<8x20096xf32, #tpu.memory_space<hbm>>
          tpu.wait_dma2 semaphore(%run_scoped3A : memref<!tpu.dma_semaphore, #tpu.memory_space<semaphore_mem>>) src(%dma_wait3A_92 : memref<8x20096xf32, #tpu.memory_space<hbm>>) dst(%dma_wait3A_90 : memref<8x20096xf32, #tpu.memory_space<vmem_shared>>)
          tpu.yield
        }) : () -> ()
      } else {
      }
      %barrier3A_22 = arith.constant 0 : index
      tpu.barrier barrier_id(%barrier3A_22)
      "tpu.region"() ({
        %run_scoped3A = tpu.sem_alloc : memref<!tpu.dma_semaphore, #tpu.memory_space<semaphore_mem>>
        %dma_start3A = arith.constant 20096 : i32
        %dma_start3A_85 = tpu.memref_slice %arg8[%dma_start3A] : memref<100000xf32, #tpu.memory_space<vmem>> -> memref<20096xf32, #tpu.memory_space<vmem>>
        %dma_start3A_86 = arith.constant 0 : i32
        %dma_start3A_87 = tpu.memref_slice %arg6[%and3A_9, %dma_start3A_86] : memref<8x20096xf32, #tpu.memory_space<vmem_shared>> -> memref<1x20096xf32, #tpu.memory_space<vmem_shared>>
        %dma_start3A_88 = tpu.memref_squeeze %dma_start3A_87 : memref<1x20096xf32, #tpu.memory_space<vmem_shared>> -> memref<20096xf32, #tpu.memory_space<vmem_shared>>
        %dma_start3A_89 = arith.constant 20096 : i32
        %dma_start3A_90 = tpu.memref_slice %arg8[%dma_start3A_89] : memref<100000xf32, #tpu.memory_space<vmem>> -> memref<20096xf32, #tpu.memory_space<vmem>>
        %dma_start3A_91 = arith.constant 0 : i32
        %dma_start3A_92 = tpu.memref_slice %arg6[%and3A_9, %dma_start3A_91] : memref<8x20096xf32, #tpu.memory_space<vmem_shared>> -> memref<1x20096xf32, #tpu.memory_space<vmem_shared>>
        %dma_start3A_93 = tpu.memref_squeeze %dma_start3A_92 : memref<1x20096xf32, #tpu.memory_space<vmem_shared>> -> memref<20096xf32, #tpu.memory_space<vmem_shared>>
        tpu.enqueue_dma source(%dma_start3A_93 : memref<20096xf32, #tpu.memory_space<vmem_shared>>) target(%dma_start3A_90 : memref<20096xf32, #tpu.memory_space<vmem>>) target_semaphore(%run_scoped3A : memref<!tpu.dma_semaphore, #tpu.memory_space<semaphore_mem>>)
        %dma_wait3A = arith.constant 20096 : i32
        %dma_wait3A_94 = tpu.memref_slice %arg8[%dma_wait3A] : memref<100000xf32, #tpu.memory_space<vmem>> -> memref<20096xf32, #tpu.memory_space<vmem>>
        %dma_wait3A_95 = arith.constant 0 : i32
        %dma_wait3A_96 = tpu.memref_slice %arg6[%and3A_9, %dma_wait3A_95] : memref<8x20096xf32, #tpu.memory_space<vmem_shared>> -> memref<1x20096xf32, #tpu.memory_space<vmem_shared>>
        %dma_wait3A_97 = tpu.memref_squeeze %dma_wait3A_96 : memref<1x20096xf32, #tpu.memory_space<vmem_shared>> -> memref<20096xf32, #tpu.memory_space<vmem_shared>>
        %dma_wait3A_98 = arith.constant 20096 : i32
        %dma_wait3A_99 = tpu.memref_slice %arg8[%dma_wait3A_98] : memref<100000xf32, #tpu.memory_space<vmem>> -> memref<20096xf32, #tpu.memory_space<vmem>>
        %dma_wait3A_100 = arith.constant 0 : i32
        %dma_wait3A_101 = tpu.memref_slice %arg6[%and3A_9, %dma_wait3A_100] : memref<8x20096xf32, #tpu.memory_space<vmem_shared>> -> memref<1x20096xf32, #tpu.memory_space<vmem_shared>>
        %dma_wait3A_102 = tpu.memref_squeeze %dma_wait3A_101 : memref<1x20096xf32, #tpu.memory_space<vmem_shared>> -> memref<20096xf32, #tpu.memory_space<vmem_shared>>
        tpu.wait_dma2 semaphore(%run_scoped3A : memref<!tpu.dma_semaphore, #tpu.memory_space<semaphore_mem>>) src(%dma_wait3A_102 : memref<20096xf32, #tpu.memory_space<vmem_shared>>) dst(%dma_wait3A_99 : memref<20096xf32, #tpu.memory_space<vmem>>)
        tpu.yield
      }) : () -> ()
      %barrier3A_23 = arith.constant 0 : index
      tpu.barrier barrier_id(%barrier3A_23)
      %eq3A_24 = arith.constant 0 : i32
      %eq3A_25 = arith.cmpi eq, %arg1, %eq3A_24 : i32
      %convert_element_type3A_26 = arith.extui %eq3A_25 : i1 to i32
      %cond3A_27 = arith.constant 0 : i32
      %cond3A_28 = arith.cmpi ne, %convert_element_type3A_26, %cond3A_27 : i32
      scf.if %cond3A_28 {
        "tpu.region"() ({
          %run_scoped3A = tpu.sem_alloc : memref<!tpu.dma_semaphore, #tpu.memory_space<semaphore_mem>>
          %dma_start3A = arith.constant 0 : i32
          %dma_start3A_85 = arith.constant 0 : i32
          %dma_start3A_86 = tpu.memref_slice %arg6[%dma_start3A, %dma_start3A_85] : memref<8x20096xf32, #tpu.memory_space<vmem_shared>> -> memref<8x20096xf32, #tpu.memory_space<vmem_shared>>
          %dma_start3A_87 = arith.constant 40192 : i32
          %dma_start3A_88 = tpu.memref_slice %arg2[%multiple_of3A, %dma_start3A_87] : memref<832x100000xf32, #tpu.memory_space<hbm>> -> memref<8x20096xf32, #tpu.memory_space<hbm>>
          tpu.enqueue_dma source(%dma_start3A_88 : memref<8x20096xf32, #tpu.memory_space<hbm>>) target(%dma_start3A_86 : memref<8x20096xf32, #tpu.memory_space<vmem_shared>>) target_semaphore(%run_scoped3A : memref<!tpu.dma_semaphore, #tpu.memory_space<semaphore_mem>>)
          %dma_wait3A = arith.constant 0 : i32
          %dma_wait3A_89 = arith.constant 0 : i32
          %dma_wait3A_90 = tpu.memref_slice %arg6[%dma_wait3A, %dma_wait3A_89] : memref<8x20096xf32, #tpu.memory_space<vmem_shared>> -> memref<8x20096xf32, #tpu.memory_space<vmem_shared>>
          %dma_wait3A_91 = arith.constant 40192 : i32
          %dma_wait3A_92 = tpu.memref_slice %arg2[%multiple_of3A, %dma_wait3A_91] : memref<832x100000xf32, #tpu.memory_space<hbm>> -> memref<8x20096xf32, #tpu.memory_space<hbm>>
          tpu.wait_dma2 semaphore(%run_scoped3A : memref<!tpu.dma_semaphore, #tpu.memory_space<semaphore_mem>>) src(%dma_wait3A_92 : memref<8x20096xf32, #tpu.memory_space<hbm>>) dst(%dma_wait3A_90 : memref<8x20096xf32, #tpu.memory_space<vmem_shared>>)
          tpu.yield
        }) : () -> ()
      } else {
      }
      %barrier3A_29 = arith.constant 0 : index
      tpu.barrier barrier_id(%barrier3A_29)
      "tpu.region"() ({
        %run_scoped3A = tpu.sem_alloc : memref<!tpu.dma_semaphore, #tpu.memory_space<semaphore_mem>>
        %dma_start3A = arith.constant 40192 : i32
        %dma_start3A_85 = tpu.memref_slice %arg8[%dma_start3A] : memref<100000xf32, #tpu.memory_space<vmem>> -> memref<20096xf32, #tpu.memory_space<vmem>>
        %dma_start3A_86 = arith.constant 0 : i32
        %dma_start3A_87 = tpu.memref_slice %arg6[%and3A_9, %dma_start3A_86] : memref<8x20096xf32, #tpu.memory_space<vmem_shared>> -> memref<1x20096xf32, #tpu.memory_space<vmem_shared>>
        %dma_start3A_88 = tpu.memref_squeeze %dma_start3A_87 : memref<1x20096xf32, #tpu.memory_space<vmem_shared>> -> memref<20096xf32, #tpu.memory_space<vmem_shared>>
        %dma_start3A_89 = arith.constant 40192 : i32
        %dma_start3A_90 = tpu.memref_slice %arg8[%dma_start3A_89] : memref<100000xf32, #tpu.memory_space<vmem>> -> memref<20096xf32, #tpu.memory_space<vmem>>
        %dma_start3A_91 = arith.constant 0 : i32
        %dma_start3A_92 = tpu.memref_slice %arg6[%and3A_9, %dma_start3A_91] : memref<8x20096xf32, #tpu.memory_space<vmem_shared>> -> memref<1x20096xf32, #tpu.memory_space<vmem_shared>>
        %dma_start3A_93 = tpu.memref_squeeze %dma_start3A_92 : memref<1x20096xf32, #tpu.memory_space<vmem_shared>> -> memref<20096xf32, #tpu.memory_space<vmem_shared>>
        tpu.enqueue_dma source(%dma_start3A_93 : memref<20096xf32, #tpu.memory_space<vmem_shared>>) target(%dma_start3A_90 : memref<20096xf32, #tpu.memory_space<vmem>>) target_semaphore(%run_scoped3A : memref<!tpu.dma_semaphore, #tpu.memory_space<semaphore_mem>>)
        %dma_wait3A = arith.constant 40192 : i32
        %dma_wait3A_94 = tpu.memref_slice %arg8[%dma_wait3A] : memref<100000xf32, #tpu.memory_space<vmem>> -> memref<20096xf32, #tpu.memory_space<vmem>>
        %dma_wait3A_95 = arith.constant 0 : i32
        %dma_wait3A_96 = tpu.memref_slice %arg6[%and3A_9, %dma_wait3A_95] : memref<8x20096xf32, #tpu.memory_space<vmem_shared>> -> memref<1x20096xf32, #tpu.memory_space<vmem_shared>>
        %dma_wait3A_97 = tpu.memref_squeeze %dma_wait3A_96 : memref<1x20096xf32, #tpu.memory_space<vmem_shared>> -> memref<20096xf32, #tpu.memory_space<vmem_shared>>
        %dma_wait3A_98 = arith.constant 40192 : i32
        %dma_wait3A_99 = tpu.memref_slice %arg8[%dma_wait3A_98] : memref<100000xf32, #tpu.memory_space<vmem>> -> memref<20096xf32, #tpu.memory_space<vmem>>
        %dma_wait3A_100 = arith.constant 0 : i32
        %dma_wait3A_101 = tpu.memref_slice %arg6[%and3A_9, %dma_wait3A_100] : memref<8x20096xf32, #tpu.memory_space<vmem_shared>> -> memref<1x20096xf32, #tpu.memory_space<vmem_shared>>
        %dma_wait3A_102 = tpu.memref_squeeze %dma_wait3A_101 : memref<1x20096xf32, #tpu.memory_space<vmem_shared>> -> memref<20096xf32, #tpu.memory_space<vmem_shared>>
        tpu.wait_dma2 semaphore(%run_scoped3A : memref<!tpu.dma_semaphore, #tpu.memory_space<semaphore_mem>>) src(%dma_wait3A_102 : memref<20096xf32, #tpu.memory_space<vmem_shared>>) dst(%dma_wait3A_99 : memref<20096xf32, #tpu.memory_space<vmem>>)
        tpu.yield
      }) : () -> ()
      %barrier3A_30 = arith.constant 0 : index
      tpu.barrier barrier_id(%barrier3A_30)
      %eq3A_31 = arith.constant 0 : i32
      %eq3A_32 = arith.cmpi eq, %arg1, %eq3A_31 : i32
      %convert_element_type3A_33 = arith.extui %eq3A_32 : i1 to i32
      %cond3A_34 = arith.constant 0 : i32
      %cond3A_35 = arith.cmpi ne, %convert_element_type3A_33, %cond3A_34 : i32
      scf.if %cond3A_35 {
        "tpu.region"() ({
          %run_scoped3A = tpu.sem_alloc : memref<!tpu.dma_semaphore, #tpu.memory_space<semaphore_mem>>
          %dma_start3A = arith.constant 0 : i32
          %dma_start3A_85 = arith.constant 0 : i32
          %dma_start3A_86 = tpu.memref_slice %arg6[%dma_start3A, %dma_start3A_85] : memref<8x20096xf32, #tpu.memory_space<vmem_shared>> -> memref<8x20096xf32, #tpu.memory_space<vmem_shared>>
          %dma_start3A_87 = arith.constant 60288 : i32
          %dma_start3A_88 = tpu.memref_slice %arg2[%multiple_of3A, %dma_start3A_87] : memref<832x100000xf32, #tpu.memory_space<hbm>> -> memref<8x20096xf32, #tpu.memory_space<hbm>>
          tpu.enqueue_dma source(%dma_start3A_88 : memref<8x20096xf32, #tpu.memory_space<hbm>>) target(%dma_start3A_86 : memref<8x20096xf32, #tpu.memory_space<vmem_shared>>) target_semaphore(%run_scoped3A : memref<!tpu.dma_semaphore, #tpu.memory_space<semaphore_mem>>)
          %dma_wait3A = arith.constant 0 : i32
          %dma_wait3A_89 = arith.constant 0 : i32
          %dma_wait3A_90 = tpu.memref_slice %arg6[%dma_wait3A, %dma_wait3A_89] : memref<8x20096xf32, #tpu.memory_space<vmem_shared>> -> memref<8x20096xf32, #tpu.memory_space<vmem_shared>>
          %dma_wait3A_91 = arith.constant 60288 : i32
          %dma_wait3A_92 = tpu.memref_slice %arg2[%multiple_of3A, %dma_wait3A_91] : memref<832x100000xf32, #tpu.memory_space<hbm>> -> memref<8x20096xf32, #tpu.memory_space<hbm>>
          tpu.wait_dma2 semaphore(%run_scoped3A : memref<!tpu.dma_semaphore, #tpu.memory_space<semaphore_mem>>) src(%dma_wait3A_92 : memref<8x20096xf32, #tpu.memory_space<hbm>>) dst(%dma_wait3A_90 : memref<8x20096xf32, #tpu.memory_space<vmem_shared>>)
          tpu.yield
        }) : () -> ()
      } else {
      }
      %barrier3A_36 = arith.constant 0 : index
      tpu.barrier barrier_id(%barrier3A_36)
      "tpu.region"() ({
        %run_scoped3A = tpu.sem_alloc : memref<!tpu.dma_semaphore, #tpu.memory_space<semaphore_mem>>
        %dma_start3A = arith.constant 60288 : i32
        %dma_start3A_85 = tpu.memref_slice %arg8[%dma_start3A] : memref<100000xf32, #tpu.memory_space<vmem>> -> memref<20096xf32, #tpu.memory_space<vmem>>
        %dma_start3A_86 = arith.constant 0 : i32
        %dma_start3A_87 = tpu.memref_slice %arg6[%and3A_9, %dma_start3A_86] : memref<8x20096xf32, #tpu.memory_space<vmem_shared>> -> memref<1x20096xf32, #tpu.memory_space<vmem_shared>>
        %dma_start3A_88 = tpu.memref_squeeze %dma_start3A_87 : memref<1x20096xf32, #tpu.memory_space<vmem_shared>> -> memref<20096xf32, #tpu.memory_space<vmem_shared>>
        %dma_start3A_89 = arith.constant 60288 : i32
        %dma_start3A_90 = tpu.memref_slice %arg8[%dma_start3A_89] : memref<100000xf32, #tpu.memory_space<vmem>> -> memref<20096xf32, #tpu.memory_space<vmem>>
        %dma_start3A_91 = arith.constant 0 : i32
        %dma_start3A_92 = tpu.memref_slice %arg6[%and3A_9, %dma_start3A_91] : memref<8x20096xf32, #tpu.memory_space<vmem_shared>> -> memref<1x20096xf32, #tpu.memory_space<vmem_shared>>
        %dma_start3A_93 = tpu.memref_squeeze %dma_start3A_92 : memref<1x20096xf32, #tpu.memory_space<vmem_shared>> -> memref<20096xf32, #tpu.memory_space<vmem_shared>>
        tpu.enqueue_dma source(%dma_start3A_93 : memref<20096xf32, #tpu.memory_space<vmem_shared>>) target(%dma_start3A_90 : memref<20096xf32, #tpu.memory_space<vmem>>) target_semaphore(%run_scoped3A : memref<!tpu.dma_semaphore, #tpu.memory_space<semaphore_mem>>)
        %dma_wait3A = arith.constant 60288 : i32
        %dma_wait3A_94 = tpu.memref_slice %arg8[%dma_wait3A] : memref<100000xf32, #tpu.memory_space<vmem>> -> memref<20096xf32, #tpu.memory_space<vmem>>
        %dma_wait3A_95 = arith.constant 0 : i32
        %dma_wait3A_96 = tpu.memref_slice %arg6[%and3A_9, %dma_wait3A_95] : memref<8x20096xf32, #tpu.memory_space<vmem_shared>> -> memref<1x20096xf32, #tpu.memory_space<vmem_shared>>
        %dma_wait3A_97 = tpu.memref_squeeze %dma_wait3A_96 : memref<1x20096xf32, #tpu.memory_space<vmem_shared>> -> memref<20096xf32, #tpu.memory_space<vmem_shared>>
        %dma_wait3A_98 = arith.constant 60288 : i32
        %dma_wait3A_99 = tpu.memref_slice %arg8[%dma_wait3A_98] : memref<100000xf32, #tpu.memory_space<vmem>> -> memref<20096xf32, #tpu.memory_space<vmem>>
        %dma_wait3A_100 = arith.constant 0 : i32
        %dma_wait3A_101 = tpu.memref_slice %arg6[%and3A_9, %dma_wait3A_100] : memref<8x20096xf32, #tpu.memory_space<vmem_shared>> -> memref<1x20096xf32, #tpu.memory_space<vmem_shared>>
        %dma_wait3A_102 = tpu.memref_squeeze %dma_wait3A_101 : memref<1x20096xf32, #tpu.memory_space<vmem_shared>> -> memref<20096xf32, #tpu.memory_space<vmem_shared>>
        tpu.wait_dma2 semaphore(%run_scoped3A : memref<!tpu.dma_semaphore, #tpu.memory_space<semaphore_mem>>) src(%dma_wait3A_102 : memref<20096xf32, #tpu.memory_space<vmem_shared>>) dst(%dma_wait3A_99 : memref<20096xf32, #tpu.memory_space<vmem>>)
        tpu.yield
      }) : () -> ()
      %barrier3A_37 = arith.constant 0 : index
      tpu.barrier barrier_id(%barrier3A_37)
      %eq3A_38 = arith.constant 0 : i32
      %eq3A_39 = arith.cmpi eq, %arg1, %eq3A_38 : i32
      %convert_element_type3A_40 = arith.extui %eq3A_39 : i1 to i32
      %cond3A_41 = arith.constant 0 : i32
      %cond3A_42 = arith.cmpi ne, %convert_element_type3A_40, %cond3A_41 : i32
      scf.if %cond3A_42 {
        "tpu.region"() ({
          %run_scoped3A = tpu.sem_alloc : memref<!tpu.dma_semaphore, #tpu.memory_space<semaphore_mem>>
          %dma_start3A = arith.constant 0 : i32
          %dma_start3A_85 = arith.constant 0 : i32
          %dma_start3A_86 = tpu.memref_slice %arg6[%dma_start3A, %dma_start3A_85] : memref<8x20096xf32, #tpu.memory_space<vmem_shared>> -> memref<8x19584xf32, #tpu.memory_space<vmem_shared>>
          %dma_start3A_87 = arith.constant 80384 : i32
          %dma_start3A_88 = tpu.memref_slice %arg2[%multiple_of3A, %dma_start3A_87] : memref<832x100000xf32, #tpu.memory_space<hbm>> -> memref<8x19584xf32, #tpu.memory_space<hbm>>
          tpu.enqueue_dma source(%dma_start3A_88 : memref<8x19584xf32, #tpu.memory_space<hbm>>) target(%dma_start3A_86 : memref<8x19584xf32, #tpu.memory_space<vmem_shared>>) target_semaphore(%run_scoped3A : memref<!tpu.dma_semaphore, #tpu.memory_space<semaphore_mem>>)
          %dma_wait3A = arith.constant 0 : i32
          %dma_wait3A_89 = arith.constant 0 : i32
          %dma_wait3A_90 = tpu.memref_slice %arg6[%dma_wait3A, %dma_wait3A_89] : memref<8x20096xf32, #tpu.memory_space<vmem_shared>> -> memref<8x19584xf32, #tpu.memory_space<vmem_shared>>
          %dma_wait3A_91 = arith.constant 80384 : i32
          %dma_wait3A_92 = tpu.memref_slice %arg2[%multiple_of3A, %dma_wait3A_91] : memref<832x100000xf32, #tpu.memory_space<hbm>> -> memref<8x19584xf32, #tpu.memory_space<hbm>>
          tpu.wait_dma2 semaphore(%run_scoped3A : memref<!tpu.dma_semaphore, #tpu.memory_space<semaphore_mem>>) src(%dma_wait3A_92 : memref<8x19584xf32, #tpu.memory_space<hbm>>) dst(%dma_wait3A_90 : memref<8x19584xf32, #tpu.memory_space<vmem_shared>>)
          tpu.yield
        }) : () -> ()
      } else {
      }
      %barrier3A_43 = arith.constant 0 : index
      tpu.barrier barrier_id(%barrier3A_43)
      "tpu.region"() ({
        %run_scoped3A = tpu.sem_alloc : memref<!tpu.dma_semaphore, #tpu.memory_space<semaphore_mem>>
        %dma_start3A = arith.constant 80384 : i32
        %dma_start3A_85 = tpu.memref_slice %arg8[%dma_start3A] : memref<100000xf32, #tpu.memory_space<vmem>> -> memref<19584xf32, #tpu.memory_space<vmem>>
        %dma_start3A_86 = arith.constant 0 : i32
        %dma_start3A_87 = tpu.memref_slice %arg6[%and3A_9, %dma_start3A_86] : memref<8x20096xf32, #tpu.memory_space<vmem_shared>> -> memref<1x19584xf32, #tpu.memory_space<vmem_shared>>
        %dma_start3A_88 = tpu.memref_squeeze %dma_start3A_87 : memref<1x19584xf32, #tpu.memory_space<vmem_shared>> -> memref<19584xf32, #tpu.memory_space<vmem_shared>>
        %dma_start3A_89 = arith.constant 80384 : i32
        %dma_start3A_90 = tpu.memref_slice %arg8[%dma_start3A_89] : memref<100000xf32, #tpu.memory_space<vmem>> -> memref<19584xf32, #tpu.memory_space<vmem>>
        %dma_start3A_91 = arith.constant 0 : i32
        %dma_start3A_92 = tpu.memref_slice %arg6[%and3A_9, %dma_start3A_91] : memref<8x20096xf32, #tpu.memory_space<vmem_shared>> -> memref<1x19584xf32, #tpu.memory_space<vmem_shared>>
        %dma_start3A_93 = tpu.memref_squeeze %dma_start3A_92 : memref<1x19584xf32, #tpu.memory_space<vmem_shared>> -> memref<19584xf32, #tpu.memory_space<vmem_shared>>
        tpu.enqueue_dma source(%dma_start3A_93 : memref<19584xf32, #tpu.memory_space<vmem_shared>>) target(%dma_start3A_90 : memref<19584xf32, #tpu.memory_space<vmem>>) target_semaphore(%run_scoped3A : memref<!tpu.dma_semaphore, #tpu.memory_space<semaphore_mem>>)
        %dma_wait3A = arith.constant 80384 : i32
        %dma_wait3A_94 = tpu.memref_slice %arg8[%dma_wait3A] : memref<100000xf32, #tpu.memory_space<vmem>> -> memref<19584xf32, #tpu.memory_space<vmem>>
        %dma_wait3A_95 = arith.constant 0 : i32
        %dma_wait3A_96 = tpu.memref_slice %arg6[%and3A_9, %dma_wait3A_95] : memref<8x20096xf32, #tpu.memory_space<vmem_shared>> -> memref<1x19584xf32, #tpu.memory_space<vmem_shared>>
        %dma_wait3A_97 = tpu.memref_squeeze %dma_wait3A_96 : memref<1x19584xf32, #tpu.memory_space<vmem_shared>> -> memref<19584xf32, #tpu.memory_space<vmem_shared>>
        %dma_wait3A_98 = arith.constant 80384 : i32
        %dma_wait3A_99 = tpu.memref_slice %arg8[%dma_wait3A_98] : memref<100000xf32, #tpu.memory_space<vmem>> -> memref<19584xf32, #tpu.memory_space<vmem>>
        %dma_wait3A_100 = arith.constant 0 : i32
        %dma_wait3A_101 = tpu.memref_slice %arg6[%and3A_9, %dma_wait3A_100] : memref<8x20096xf32, #tpu.memory_space<vmem_shared>> -> memref<1x19584xf32, #tpu.memory_space<vmem_shared>>
        %dma_wait3A_102 = tpu.memref_squeeze %dma_wait3A_101 : memref<1x19584xf32, #tpu.memory_space<vmem_shared>> -> memref<19584xf32, #tpu.memory_space<vmem_shared>>
        tpu.wait_dma2 semaphore(%run_scoped3A : memref<!tpu.dma_semaphore, #tpu.memory_space<semaphore_mem>>) src(%dma_wait3A_102 : memref<19584xf32, #tpu.memory_space<vmem_shared>>) dst(%dma_wait3A_99 : memref<19584xf32, #tpu.memory_space<vmem>>)
        tpu.yield
      }) : () -> ()
      %barrier3A_44 = arith.constant 0 : index
      tpu.barrier barrier_id(%barrier3A_44)
      %mul3A_45 = arith.constant 32 : i32
      %mul3A_46 = arith.muli %add3A_13, %mul3A_45 : i32
      %multiple_of3A_47 = tpu.assume_multiple %mul3A_46, 8 : i32
      "tpu.region"() ({
        %run_scoped3A = tpu.sem_alloc : memref<!tpu.dma_semaphore, #tpu.memory_space<semaphore_mem>>
        %dma_start3A = arith.constant 99968 : i32
        %dma_start3A_85 = tpu.memref_slice %arg8[%dma_start3A] : memref<100000xf32, #tpu.memory_space<vmem>> -> memref<32xf32, #tpu.memory_space<vmem>>
        %dma_start3A_86 = tpu.memref_slice %arg4[%multiple_of3A_47] : memref<26624xf32, #tpu.memory_space<hbm>> -> memref<32xf32, #tpu.memory_space<hbm>>
        %dma_start3A_87 = arith.constant 99968 : i32
        %dma_start3A_88 = tpu.memref_slice %arg8[%dma_start3A_87] : memref<100000xf32, #tpu.memory_space<vmem>> -> memref<32xf32, #tpu.memory_space<vmem>>
        %dma_start3A_89 = tpu.memref_slice %arg4[%multiple_of3A_47] : memref<26624xf32, #tpu.memory_space<hbm>> -> memref<32xf32, #tpu.memory_space<hbm>>
        tpu.enqueue_dma source(%dma_start3A_89 : memref<32xf32, #tpu.memory_space<hbm>>) target(%dma_start3A_88 : memref<32xf32, #tpu.memory_space<vmem>>) target_semaphore(%run_scoped3A : memref<!tpu.dma_semaphore, #tpu.memory_space<semaphore_mem>>)
        %dma_wait3A = arith.constant 99968 : i32
        %dma_wait3A_90 = tpu.memref_slice %arg8[%dma_wait3A] : memref<100000xf32, #tpu.memory_space<vmem>> -> memref<32xf32, #tpu.memory_space<vmem>>
        %dma_wait3A_91 = tpu.memref_slice %arg4[%multiple_of3A_47] : memref<26624xf32, #tpu.memory_space<hbm>> -> memref<32xf32, #tpu.memory_space<hbm>>
        %dma_wait3A_92 = arith.constant 99968 : i32
        %dma_wait3A_93 = tpu.memref_slice %arg8[%dma_wait3A_92] : memref<100000xf32, #tpu.memory_space<vmem>> -> memref<32xf32, #tpu.memory_space<vmem>>
        %dma_wait3A_94 = tpu.memref_slice %arg4[%multiple_of3A_47] : memref<26624xf32, #tpu.memory_space<hbm>> -> memref<32xf32, #tpu.memory_space<hbm>>
        tpu.wait_dma2 semaphore(%run_scoped3A : memref<!tpu.dma_semaphore, #tpu.memory_space<semaphore_mem>>) src(%dma_wait3A_94 : memref<32xf32, #tpu.memory_space<hbm>>) dst(%dma_wait3A_93 : memref<32xf32, #tpu.memory_space<vmem>>)
        tpu.yield
      }) : () -> ()
      %shift_right_arithmetic3A_48 = arith.constant 5 : i32
      %shift_right_arithmetic3A_49 = arith.shrsi %add3A_13, %shift_right_arithmetic3A_48 : i32
      %mul3A_50 = arith.constant 16384 : i32
      %mul3A_51 = arith.muli %shift_right_arithmetic3A_49, %mul3A_50 : i32
      %mul3A_52 = arith.constant 8192 : i32
      %mul3A_53 = arith.muli %shift_right_arithmetic3A_10, %mul3A_52 : i32
      %add3A_54 = arith.addi %mul3A_51, %mul3A_53 : i32
      %multiple_of3A_55 = tpu.assume_multiple %add3A_54, 8 : i32
      "tpu.region"() ({
        %run_scoped3A = tpu.sem_alloc : memref<!tpu.dma_semaphore, #tpu.memory_space<semaphore_mem>>
        %dma_start3A = tpu.memref_slice %arg3[%multiple_of3A_55] : memref<425984xi32, #tpu.memory_space<hbm>> -> memref<8192xi32, #tpu.memory_space<hbm>>
        %dma_start3A_85 = tpu.memref_slice %arg3[%multiple_of3A_55] : memref<425984xi32, #tpu.memory_space<hbm>> -> memref<8192xi32, #tpu.memory_space<hbm>>
        tpu.enqueue_dma source(%dma_start3A_85 : memref<8192xi32, #tpu.memory_space<hbm>>) target(%arg9 : memref<8192xi32, #tpu.memory_space<vmem>>) target_semaphore(%run_scoped3A : memref<!tpu.dma_semaphore, #tpu.memory_space<semaphore_mem>>)
        %dma_wait3A = tpu.memref_slice %arg3[%multiple_of3A_55] : memref<425984xi32, #tpu.memory_space<hbm>> -> memref<8192xi32, #tpu.memory_space<hbm>>
        %dma_wait3A_86 = tpu.memref_slice %arg3[%multiple_of3A_55] : memref<425984xi32, #tpu.memory_space<hbm>> -> memref<8192xi32, #tpu.memory_space<hbm>>
        tpu.wait_dma2 semaphore(%run_scoped3A : memref<!tpu.dma_semaphore, #tpu.memory_space<semaphore_mem>>) src(%dma_wait3A_86 : memref<8192xi32, #tpu.memory_space<hbm>>) dst(%arg9 : memref<8192xi32, #tpu.memory_space<vmem>>)
        tpu.yield
      }) : () -> ()
      %scan3A_56 = arith.constant 0 : i32
      %scan3A_57 = arith.constant 0 : i32
      %scan3A_58 = arith.constant 32 : i32
      %scan3A_59 = arith.addi %scan3A_57, %scan3A_58 : i32
      %scan3A_60 = arith.constant 1 : i32
      scf.for %scan3A_85 = %scan3A_57 to %scan3A_59 step %scan3A_60  : i32 {
        %mul3A_86 = arith.constant 256 : i32
        %mul3A_87 = arith.muli %scan3A_85, %mul3A_86 : i32
        %add3A_88 = arith.constant 0 : i32
        %add3A_89 = arith.addi %mul3A_87, %add3A_88 : i32
        %get3A = arith.index_cast %add3A_89 : i32 to index
        %get3A_90 = tpu.vector_load %arg9[%get3A] {strides = array<i32>} : memref<8192xi32, #tpu.memory_space<vmem>>, vector<16xi32>,
        %gather3A = tpu.vector_load_idx %arg8[%get3A_90] : memref<100000xf32, #tpu.memory_space<vmem>>[vector<16xi32>], vector<16xf32>,
        %mul3A_91 = arith.constant 256 : i32
        %mul3A_92 = arith.muli %scan3A_85, %mul3A_91 : i32
        %add3A_93 = arith.constant 0 : i32
        %add3A_94 = arith.addi %mul3A_92, %add3A_93 : i32
        %swap3A = arith.index_cast %add3A_94 : i32 to index
        %swap3A_95 = tpu.vector_load %arg10[%swap3A] {strides = array<i32>} : memref<8192xf32, #tpu.memory_space<vmem>>, vector<16xf32>,
        tpu.vector_store %arg10[%swap3A], %gather3A {strides = array<i32>} : memref<8192xf32, #tpu.memory_space<vmem>>, vector<16xf32>,
        %mul3A_96 = arith.constant 256 : i32
        %mul3A_97 = arith.muli %scan3A_85, %mul3A_96 : i32
        %add3A_98 = arith.constant 16 : i32
        %add3A_99 = arith.addi %mul3A_97, %add3A_98 : i32
        %get3A_100 = arith.index_cast %add3A_99 : i32 to index
        %get3A_101 = tpu.vector_load %arg9[%get3A_100] {strides = array<i32>} : memref<8192xi32, #tpu.memory_space<vmem>>, vector<16xi32>,
        %gather3A_102 = tpu.vector_load_idx %arg8[%get3A_101] : memref<100000xf32, #tpu.memory_space<vmem>>[vector<16xi32>], vector<16xf32>,
        %mul3A_103 = arith.constant 256 : i32
        %mul3A_104 = arith.muli %scan3A_85, %mul3A_103 : i32
        %add3A_105 = arith.constant 16 : i32
        %add3A_106 = arith.addi %mul3A_104, %add3A_105 : i32
        %swap3A_107 = arith.index_cast %add3A_106 : i32 to index
        %swap3A_108 = tpu.vector_load %arg10[%swap3A_107] {strides = array<i32>} : memref<8192xf32, #tpu.memory_space<vmem>>, vector<16xf32>,
        tpu.vector_store %arg10[%swap3A_107], %gather3A_102 {strides = array<i32>} : memref<8192xf32, #tpu.memory_space<vmem>>, vector<16xf32>,
        %mul3A_109 = arith.constant 256 : i32
        %mul3A_110 = arith.muli %scan3A_85, %mul3A_109 : i32
        %add3A_111 = arith.constant 32 : i32
        %add3A_112 = arith.addi %mul3A_110, %add3A_111 : i32
        %get3A_113 = arith.index_cast %add3A_112 : i32 to index
        %get3A_114 = tpu.vector_load %arg9[%get3A_113] {strides = array<i32>} : memref<8192xi32, #tpu.memory_space<vmem>>, vector<16xi32>,
        %gather3A_115 = tpu.vector_load_idx %arg8[%get3A_114] : memref<100000xf32, #tpu.memory_space<vmem>>[vector<16xi32>], vector<16xf32>,
        %mul3A_116 = arith.constant 256 : i32
        %mul3A_117 = arith.muli %scan3A_85, %mul3A_116 : i32
        %add3A_118 = arith.constant 32 : i32
        %add3A_119 = arith.addi %mul3A_117, %add3A_118 : i32
        %swap3A_120 = arith.index_cast %add3A_119 : i32 to index
        %swap3A_121 = tpu.vector_load %arg10[%swap3A_120] {strides = array<i32>} : memref<8192xf32, #tpu.memory_space<vmem>>, vector<16xf32>,
        tpu.vector_store %arg10[%swap3A_120], %gather3A_115 {strides = array<i32>} : memref<8192xf32, #tpu.memory_space<vmem>>, vector<16xf32>,
        %mul3A_122 = arith.constant 256 : i32
        %mul3A_123 = arith.muli %scan3A_85, %mul3A_122 : i32
        %add3A_124 = arith.constant 48 : i32
        %add3A_125 = arith.addi %mul3A_123, %add3A_124 : i32
        %get3A_126 = arith.index_cast %add3A_125 : i32 to index
        %get3A_127 = tpu.vector_load %arg9[%get3A_126] {strides = array<i32>} : memref<8192xi32, #tpu.memory_space<vmem>>, vector<16xi32>,
        %gather3A_128 = tpu.vector_load_idx %arg8[%get3A_127] : memref<100000xf32, #tpu.memory_space<vmem>>[vector<16xi32>], vector<16xf32>,
        %mul3A_129 = arith.constant 256 : i32
        %mul3A_130 = arith.muli %scan3A_85, %mul3A_129 : i32
        %add3A_131 = arith.constant 48 : i32
        %add3A_132 = arith.addi %mul3A_130, %add3A_131 : i32
        %swap3A_133 = arith.index_cast %add3A_132 : i32 to index
        %swap3A_134 = tpu.vector_load %arg10[%swap3A_133] {strides = array<i32>} : memref<8192xf32, #tpu.memory_space<vmem>>, vector<16xf32>,
        tpu.vector_store %arg10[%swap3A_133], %gather3A_128 {strides = array<i32>} : memref<8192xf32, #tpu.memory_space<vmem>>, vector<16xf32>,
        %mul3A_135 = arith.constant 256 : i32
        %mul3A_136 = arith.muli %scan3A_85, %mul3A_135 : i32
        %add3A_137 = arith.constant 64 : i32
        %add3A_138 = arith.addi %mul3A_136, %add3A_137 : i32
        %get3A_139 = arith.index_cast %add3A_138 : i32 to index
        %get3A_140 = tpu.vector_load %arg9[%get3A_139] {strides = array<i32>} : memref<8192xi32, #tpu.memory_space<vmem>>, vector<16xi32>,
        %gather3A_141 = tpu.vector_load_idx %arg8[%get3A_140] : memref<100000xf32, #tpu.memory_space<vmem>>[vector<16xi32>], vector<16xf32>,
        %mul3A_142 = arith.constant 256 : i32
        %mul3A_143 = arith.muli %scan3A_85, %mul3A_142 : i32
        %add3A_144 = arith.constant 64 : i32
        %add3A_145 = arith.addi %mul3A_143, %add3A_144 : i32
        %swap3A_146 = arith.index_cast %add3A_145 : i32 to index
        %swap3A_147 = tpu.vector_load %arg10[%swap3A_146] {strides = array<i32>} : memref<8192xf32, #tpu.memory_space<vmem>>, vector<16xf32>,
        tpu.vector_store %arg10[%swap3A_146], %gather3A_141 {strides = array<i32>} : memref<8192xf32, #tpu.memory_space<vmem>>, vector<16xf32>,
        %mul3A_148 = arith.constant 256 : i32
        %mul3A_149 = arith.muli %scan3A_85, %mul3A_148 : i32
        %add3A_150 = arith.constant 80 : i32
        %add3A_151 = arith.addi %mul3A_149, %add3A_150 : i32
        %get3A_152 = arith.index_cast %add3A_151 : i32 to index
        %get3A_153 = tpu.vector_load %arg9[%get3A_152] {strides = array<i32>} : memref<8192xi32, #tpu.memory_space<vmem>>, vector<16xi32>,
        %gather3A_154 = tpu.vector_load_idx %arg8[%get3A_153] : memref<100000xf32, #tpu.memory_space<vmem>>[vector<16xi32>], vector<16xf32>,
        %mul3A_155 = arith.constant 256 : i32
        %mul3A_156 = arith.muli %scan3A_85, %mul3A_155 : i32
        %add3A_157 = arith.constant 80 : i32
        %add3A_158 = arith.addi %mul3A_156, %add3A_157 : i32
        %swap3A_159 = arith.index_cast %add3A_158 : i32 to index
        %swap3A_160 = tpu.vector_load %arg10[%swap3A_159] {strides = array<i32>} : memref<8192xf32, #tpu.memory_space<vmem>>, vector<16xf32>,
        tpu.vector_store %arg10[%swap3A_159], %gather3A_154 {strides = array<i32>} : memref<8192xf32, #tpu.memory_space<vmem>>, vector<16xf32>,
        %mul3A_161 = arith.constant 256 : i32
        %mul3A_162 = arith.muli %scan3A_85, %mul3A_161 : i32
        %add3A_163 = arith.constant 96 : i32
        %add3A_164 = arith.addi %mul3A_162, %add3A_163 : i32
        %get3A_165 = arith.index_cast %add3A_164 : i32 to index
        %get3A_166 = tpu.vector_load %arg9[%get3A_165] {strides = array<i32>} : memref<8192xi32, #tpu.memory_space<vmem>>, vector<16xi32>,
        %gather3A_167 = tpu.vector_load_idx %arg8[%get3A_166] : memref<100000xf32, #tpu.memory_space<vmem>>[vector<16xi32>], vector<16xf32>,
        %mul3A_168 = arith.constant 256 : i32
        %mul3A_169 = arith.muli %scan3A_85, %mul3A_168 : i32
        %add3A_170 = arith.constant 96 : i32
        %add3A_171 = arith.addi %mul3A_169, %add3A_170 : i32
        %swap3A_172 = arith.index_cast %add3A_171 : i32 to index
        %swap3A_173 = tpu.vector_load %arg10[%swap3A_172] {strides = array<i32>} : memref<8192xf32, #tpu.memory_space<vmem>>, vector<16xf32>,
        tpu.vector_store %arg10[%swap3A_172], %gather3A_167 {strides = array<i32>} : memref<8192xf32, #tpu.memory_space<vmem>>, vector<16xf32>,
        %mul3A_174 = arith.constant 256 : i32
        %mul3A_175 = arith.muli %scan3A_85, %mul3A_174 : i32
        %add3A_176 = arith.constant 112 : i32
        %add3A_177 = arith.addi %mul3A_175, %add3A_176 : i32
        %get3A_178 = arith.index_cast %add3A_177 : i32 to index
        %get3A_179 = tpu.vector_load %arg9[%get3A_178] {strides = array<i32>} : memref<8192xi32, #tpu.memory_space<vmem>>, vector<16xi32>,
        %gather3A_180 = tpu.vector_load_idx %arg8[%get3A_179] : memref<100000xf32, #tpu.memory_space<vmem>>[vector<16xi32>], vector<16xf32>,
        %mul3A_181 = arith.constant 256 : i32
        %mul3A_182 = arith.muli %scan3A_85, %mul3A_181 : i32
        %add3A_183 = arith.constant 112 : i32
        %add3A_184 = arith.addi %mul3A_182, %add3A_183 : i32
        %swap3A_185 = arith.index_cast %add3A_184 : i32 to index
        %swap3A_186 = tpu.vector_load %arg10[%swap3A_185] {strides = array<i32>} : memref<8192xf32, #tpu.memory_space<vmem>>, vector<16xf32>,
        tpu.vector_store %arg10[%swap3A_185], %gather3A_180 {strides = array<i32>} : memref<8192xf32, #tpu.memory_space<vmem>>, vector<16xf32>,
        %mul3A_187 = arith.constant 256 : i32
        %mul3A_188 = arith.muli %scan3A_85, %mul3A_187 : i32
        %add3A_189 = arith.constant 128 : i32
        %add3A_190 = arith.addi %mul3A_188, %add3A_189 : i32
        %get3A_191 = arith.index_cast %add3A_190 : i32 to index
        %get3A_192 = tpu.vector_load %arg9[%get3A_191] {strides = array<i32>} : memref<8192xi32, #tpu.memory_space<vmem>>, vector<16xi32>,
        %gather3A_193 = tpu.vector_load_idx %arg8[%get3A_192] : memref<100000xf32, #tpu.memory_space<vmem>>[vector<16xi32>], vector<16xf32>,
        %mul3A_194 = arith.constant 256 : i32
        %mul3A_195 = arith.muli %scan3A_85, %mul3A_194 : i32
        %add3A_196 = arith.constant 128 : i32
        %add3A_197 = arith.addi %mul3A_195, %add3A_196 : i32
        %swap3A_198 = arith.index_cast %add3A_197 : i32 to index
        %swap3A_199 = tpu.vector_load %arg10[%swap3A_198] {strides = array<i32>} : memref<8192xf32, #tpu.memory_space<vmem>>, vector<16xf32>,
        tpu.vector_store %arg10[%swap3A_198], %gather3A_193 {strides = array<i32>} : memref<8192xf32, #tpu.memory_space<vmem>>, vector<16xf32>,
        %mul3A_200 = arith.constant 256 : i32
        %mul3A_201 = arith.muli %scan3A_85, %mul3A_200 : i32
        %add3A_202 = arith.constant 144 : i32
        %add3A_203 = arith.addi %mul3A_201, %add3A_202 : i32
        %get3A_204 = arith.index_cast %add3A_203 : i32 to index
        %get3A_205 = tpu.vector_load %arg9[%get3A_204] {strides = array<i32>} : memref<8192xi32, #tpu.memory_space<vmem>>, vector<16xi32>,
        %gather3A_206 = tpu.vector_load_idx %arg8[%get3A_205] : memref<100000xf32, #tpu.memory_space<vmem>>[vector<16xi32>], vector<16xf32>,
        %mul3A_207 = arith.constant 256 : i32
        %mul3A_208 = arith.muli %scan3A_85, %mul3A_207 : i32
        %add3A_209 = arith.constant 144 : i32
        %add3A_210 = arith.addi %mul3A_208, %add3A_209 : i32
        %swap3A_211 = arith.index_cast %add3A_210 : i32 to index
        %swap3A_212 = tpu.vector_load %arg10[%swap3A_211] {strides = array<i32>} : memref<8192xf32, #tpu.memory_space<vmem>>, vector<16xf32>,
        tpu.vector_store %arg10[%swap3A_211], %gather3A_206 {strides = array<i32>} : memref<8192xf32, #tpu.memory_space<vmem>>, vector<16xf32>,
        %mul3A_213 = arith.constant 256 : i32
        %mul3A_214 = arith.muli %scan3A_85, %mul3A_213 : i32
        %add3A_215 = arith.constant 160 : i32
        %add3A_216 = arith.addi %mul3A_214, %add3A_215 : i32
        %get3A_217 = arith.index_cast %add3A_216 : i32 to index
        %get3A_218 = tpu.vector_load %arg9[%get3A_217] {strides = array<i32>} : memref<8192xi32, #tpu.memory_space<vmem>>, vector<16xi32>,
        %gather3A_219 = tpu.vector_load_idx %arg8[%get3A_218] : memref<100000xf32, #tpu.memory_space<vmem>>[vector<16xi32>], vector<16xf32>,
        %mul3A_220 = arith.constant 256 : i32
        %mul3A_221 = arith.muli %scan3A_85, %mul3A_220 : i32
        %add3A_222 = arith.constant 160 : i32
        %add3A_223 = arith.addi %mul3A_221, %add3A_222 : i32
        %swap3A_224 = arith.index_cast %add3A_223 : i32 to index
        %swap3A_225 = tpu.vector_load %arg10[%swap3A_224] {strides = array<i32>} : memref<8192xf32, #tpu.memory_space<vmem>>, vector<16xf32>,
        tpu.vector_store %arg10[%swap3A_224], %gather3A_219 {strides = array<i32>} : memref<8192xf32, #tpu.memory_space<vmem>>, vector<16xf32>,
        %mul3A_226 = arith.constant 256 : i32
        %mul3A_227 = arith.muli %scan3A_85, %mul3A_226 : i32
        %add3A_228 = arith.constant 176 : i32
        %add3A_229 = arith.addi %mul3A_227, %add3A_228 : i32
        %get3A_230 = arith.index_cast %add3A_229 : i32 to index
        %get3A_231 = tpu.vector_load %arg9[%get3A_230] {strides = array<i32>} : memref<8192xi32, #tpu.memory_space<vmem>>, vector<16xi32>,
        %gather3A_232 = tpu.vector_load_idx %arg8[%get3A_231] : memref<100000xf32, #tpu.memory_space<vmem>>[vector<16xi32>], vector<16xf32>,
        %mul3A_233 = arith.constant 256 : i32
        %mul3A_234 = arith.muli %scan3A_85, %mul3A_233 : i32
        %add3A_235 = arith.constant 176 : i32
        %add3A_236 = arith.addi %mul3A_234, %add3A_235 : i32
        %swap3A_237 = arith.index_cast %add3A_236 : i32 to index
        %swap3A_238 = tpu.vector_load %arg10[%swap3A_237] {strides = array<i32>} : memref<8192xf32, #tpu.memory_space<vmem>>, vector<16xf32>,
        tpu.vector_store %arg10[%swap3A_237], %gather3A_232 {strides = array<i32>} : memref<8192xf32, #tpu.memory_space<vmem>>, vector<16xf32>,
        %mul3A_239 = arith.constant 256 : i32
        %mul3A_240 = arith.muli %scan3A_85, %mul3A_239 : i32
        %add3A_241 = arith.constant 192 : i32
        %add3A_242 = arith.addi %mul3A_240, %add3A_241 : i32
        %get3A_243 = arith.index_cast %add3A_242 : i32 to index
        %get3A_244 = tpu.vector_load %arg9[%get3A_243] {strides = array<i32>} : memref<8192xi32, #tpu.memory_space<vmem>>, vector<16xi32>,
        %gather3A_245 = tpu.vector_load_idx %arg8[%get3A_244] : memref<100000xf32, #tpu.memory_space<vmem>>[vector<16xi32>], vector<16xf32>,
        %mul3A_246 = arith.constant 256 : i32
        %mul3A_247 = arith.muli %scan3A_85, %mul3A_246 : i32
        %add3A_248 = arith.constant 192 : i32
        %add3A_249 = arith.addi %mul3A_247, %add3A_248 : i32
        %swap3A_250 = arith.index_cast %add3A_249 : i32 to index
        %swap3A_251 = tpu.vector_load %arg10[%swap3A_250] {strides = array<i32>} : memref<8192xf32, #tpu.memory_space<vmem>>, vector<16xf32>,
        tpu.vector_store %arg10[%swap3A_250], %gather3A_245 {strides = array<i32>} : memref<8192xf32, #tpu.memory_space<vmem>>, vector<16xf32>,
        %mul3A_252 = arith.constant 256 : i32
        %mul3A_253 = arith.muli %scan3A_85, %mul3A_252 : i32
        %add3A_254 = arith.constant 208 : i32
        %add3A_255 = arith.addi %mul3A_253, %add3A_254 : i32
        %get3A_256 = arith.index_cast %add3A_255 : i32 to index
        %get3A_257 = tpu.vector_load %arg9[%get3A_256] {strides = array<i32>} : memref<8192xi32, #tpu.memory_space<vmem>>, vector<16xi32>,
        %gather3A_258 = tpu.vector_load_idx %arg8[%get3A_257] : memref<100000xf32, #tpu.memory_space<vmem>>[vector<16xi32>], vector<16xf32>,
        %mul3A_259 = arith.constant 256 : i32
        %mul3A_260 = arith.muli %scan3A_85, %mul3A_259 : i32
        %add3A_261 = arith.constant 208 : i32
        %add3A_262 = arith.addi %mul3A_260, %add3A_261 : i32
        %swap3A_263 = arith.index_cast %add3A_262 : i32 to index
        %swap3A_264 = tpu.vector_load %arg10[%swap3A_263] {strides = array<i32>} : memref<8192xf32, #tpu.memory_space<vmem>>, vector<16xf32>,
        tpu.vector_store %arg10[%swap3A_263], %gather3A_258 {strides = array<i32>} : memref<8192xf32, #tpu.memory_space<vmem>>, vector<16xf32>,
        %mul3A_265 = arith.constant 256 : i32
        %mul3A_266 = arith.muli %scan3A_85, %mul3A_265 : i32
        %add3A_267 = arith.constant 224 : i32
        %add3A_268 = arith.addi %mul3A_266, %add3A_267 : i32
        %get3A_269 = arith.index_cast %add3A_268 : i32 to index
        %get3A_270 = tpu.vector_load %arg9[%get3A_269] {strides = array<i32>} : memref<8192xi32, #tpu.memory_space<vmem>>, vector<16xi32>,
        %gather3A_271 = tpu.vector_load_idx %arg8[%get3A_270] : memref<100000xf32, #tpu.memory_space<vmem>>[vector<16xi32>], vector<16xf32>,
        %mul3A_272 = arith.constant 256 : i32
        %mul3A_273 = arith.muli %scan3A_85, %mul3A_272 : i32
        %add3A_274 = arith.constant 224 : i32
        %add3A_275 = arith.addi %mul3A_273, %add3A_274 : i32
        %swap3A_276 = arith.index_cast %add3A_275 : i32 to index
        %swap3A_277 = tpu.vector_load %arg10[%swap3A_276] {strides = array<i32>} : memref<8192xf32, #tpu.memory_space<vmem>>, vector<16xf32>,
        tpu.vector_store %arg10[%swap3A_276], %gather3A_271 {strides = array<i32>} : memref<8192xf32, #tpu.memory_space<vmem>>, vector<16xf32>,
        %mul3A_278 = arith.constant 256 : i32
        %mul3A_279 = arith.muli %scan3A_85, %mul3A_278 : i32
        %add3A_280 = arith.constant 240 : i32
        %add3A_281 = arith.addi %mul3A_279, %add3A_280 : i32
        %get3A_282 = arith.index_cast %add3A_281 : i32 to index
        %get3A_283 = tpu.vector_load %arg9[%get3A_282] {strides = array<i32>} : memref<8192xi32, #tpu.memory_space<vmem>>, vector<16xi32>,
        %gather3A_284 = tpu.vector_load_idx %arg8[%get3A_283] : memref<100000xf32, #tpu.memory_space<vmem>>[vector<16xi32>], vector<16xf32>,
        %mul3A_285 = arith.constant 256 : i32
        %mul3A_286 = arith.muli %scan3A_85, %mul3A_285 : i32
        %add3A_287 = arith.constant 240 : i32
        %add3A_288 = arith.addi %mul3A_286, %add3A_287 : i32
        %swap3A_289 = arith.index_cast %add3A_288 : i32 to index
        %swap3A_290 = tpu.vector_load %arg10[%swap3A_289] {strides = array<i32>} : memref<8192xf32, #tpu.memory_space<vmem>>, vector<16xf32>,
        tpu.vector_store %arg10[%swap3A_289], %gather3A_284 {strides = array<i32>} : memref<8192xf32, #tpu.memory_space<vmem>>, vector<16xf32>,
      }
      %scan3A_61 = arith.constant 32 : i32
      %eq3A_62 = arith.constant 0 : i32
      %eq3A_63 = arith.cmpi eq, %shift_right_arithmetic3A_10, %eq3A_62 : i32
      %convert_element_type3A_64 = arith.extui %eq3A_63 : i1 to i32
      %cond3A_65 = arith.constant 0 : i32
      %cond3A_66 = arith.cmpi ne, %convert_element_type3A_64, %cond3A_65 : i32
      scf.if %cond3A_66 {
        "tpu.region"() ({
          %run_scoped3A = tpu.sem_alloc : memref<!tpu.dma_semaphore, #tpu.memory_space<semaphore_mem>>
          %dma_start3A = arith.constant 0 : i32
          %dma_start3A_85 = tpu.memref_slice %arg7[%and3A_9, %dma_start3A] : memref<8x8192xf32, #tpu.memory_space<vmem_shared>> -> memref<1x8192xf32, #tpu.memory_space<vmem_shared>>
          %dma_start3A_86 = tpu.memref_squeeze %dma_start3A_85 : memref<1x8192xf32, #tpu.memory_space<vmem_shared>> -> memref<8192xf32, #tpu.memory_space<vmem_shared>>
          %dma_start3A_87 = arith.constant 0 : i32
          %dma_start3A_88 = tpu.memref_slice %arg7[%and3A_9, %dma_start3A_87] : memref<8x8192xf32, #tpu.memory_space<vmem_shared>> -> memref<1x8192xf32, #tpu.memory_space<vmem_shared>>
          %dma_start3A_89 = tpu.memref_squeeze %dma_start3A_88 : memref<1x8192xf32, #tpu.memory_space<vmem_shared>> -> memref<8192xf32, #tpu.memory_space<vmem_shared>>
          tpu.enqueue_dma source(%arg10 : memref<8192xf32, #tpu.memory_space<vmem>>) target(%dma_start3A_89 : memref<8192xf32, #tpu.memory_space<vmem_shared>>) target_semaphore(%run_scoped3A : memref<!tpu.dma_semaphore, #tpu.memory_space<semaphore_mem>>)
          %dma_wait3A = arith.constant 0 : i32
          %dma_wait3A_90 = tpu.memref_slice %arg7[%and3A_9, %dma_wait3A] : memref<8x8192xf32, #tpu.memory_space<vmem_shared>> -> memref<1x8192xf32, #tpu.memory_space<vmem_shared>>
          %dma_wait3A_91 = tpu.memref_squeeze %dma_wait3A_90 : memref<1x8192xf32, #tpu.memory_space<vmem_shared>> -> memref<8192xf32, #tpu.memory_space<vmem_shared>>
          %dma_wait3A_92 = arith.constant 0 : i32
          %dma_wait3A_93 = tpu.memref_slice %arg7[%and3A_9, %dma_wait3A_92] : memref<8x8192xf32, #tpu.memory_space<vmem_shared>> -> memref<1x8192xf32, #tpu.memory_space<vmem_shared>>
          %dma_wait3A_94 = tpu.memref_squeeze %dma_wait3A_93 : memref<1x8192xf32, #tpu.memory_space<vmem_shared>> -> memref<8192xf32, #tpu.memory_space<vmem_shared>>
          tpu.wait_dma2 semaphore(%run_scoped3A : memref<!tpu.dma_semaphore, #tpu.memory_space<semaphore_mem>>) src(%arg10 : memref<8192xf32, #tpu.memory_space<vmem>>) dst(%dma_wait3A_94 : memref<8192xf32, #tpu.memory_space<vmem_shared>>)
          tpu.yield
        }) : () -> ()
      } else {
      }
      %barrier3A_67 = arith.constant 0 : index
      tpu.barrier barrier_id(%barrier3A_67)
      %eq3A_68 = arith.constant 0 : i32
      %eq3A_69 = arith.cmpi eq, %arg1, %eq3A_68 : i32
      %convert_element_type3A_70 = arith.extui %eq3A_69 : i1 to i32
      %cond3A_71 = arith.constant 0 : i32
      %cond3A_72 = arith.cmpi ne, %convert_element_type3A_70, %cond3A_71 : i32
      scf.if %cond3A_72 {
        "tpu.region"() ({
          %run_scoped3A = tpu.sem_alloc : memref<!tpu.dma_semaphore, #tpu.memory_space<semaphore_mem>>
          %dma_start3A = arith.constant 0 : i32
          %dma_start3A_85 = tpu.memref_slice %arg5[%multiple_of3A, %dma_start3A] : memref<832x16384xf32, #tpu.memory_space<hbm>> -> memref<8x8192xf32, #tpu.memory_space<hbm>>
          tpu.enqueue_dma source(%arg7 : memref<8x8192xf32, #tpu.memory_space<vmem_shared>>) target(%dma_start3A_85 : memref<8x8192xf32, #tpu.memory_space<hbm>>) target_semaphore(%run_scoped3A : memref<!tpu.dma_semaphore, #tpu.memory_space<semaphore_mem>>)
          %dma_wait3A = arith.constant 0 : i32
          %dma_wait3A_86 = tpu.memref_slice %arg5[%multiple_of3A, %dma_wait3A] : memref<832x16384xf32, #tpu.memory_space<hbm>> -> memref<8x8192xf32, #tpu.memory_space<hbm>>
          tpu.wait_dma2 semaphore(%run_scoped3A : memref<!tpu.dma_semaphore, #tpu.memory_space<semaphore_mem>>) src(%arg7 : memref<8x8192xf32, #tpu.memory_space<vmem_shared>>) dst(%dma_wait3A_86 : memref<8x8192xf32, #tpu.memory_space<hbm>>)
          tpu.yield
        }) : () -> ()
      } else {
      }
      %barrier3A_73 = arith.constant 0 : index
      tpu.barrier barrier_id(%barrier3A_73)
      %eq3A_74 = arith.constant 1 : i32
      %eq3A_75 = arith.cmpi eq, %shift_right_arithmetic3A_10, %eq3A_74 : i32
      %convert_element_type3A_76 = arith.extui %eq3A_75 : i1 to i32
      %cond3A_77 = arith.constant 0 : i32
      %cond3A_78 = arith.cmpi ne, %convert_element_type3A_76, %cond3A_77 : i32
      scf.if %cond3A_78 {
        "tpu.region"() ({
          %run_scoped3A = tpu.sem_alloc : memref<!tpu.dma_semaphore, #tpu.memory_space<semaphore_mem>>
          %dma_start3A = arith.constant 0 : i32
          %dma_start3A_85 = tpu.memref_slice %arg7[%and3A_9, %dma_start3A] : memref<8x8192xf32, #tpu.memory_space<vmem_shared>> -> memref<1x8192xf32, #tpu.memory_space<vmem_shared>>
          %dma_start3A_86 = tpu.memref_squeeze %dma_start3A_85 : memref<1x8192xf32, #tpu.memory_space<vmem_shared>> -> memref<8192xf32, #tpu.memory_space<vmem_shared>>
          %dma_start3A_87 = arith.constant 0 : i32
          %dma_start3A_88 = tpu.memref_slice %arg7[%and3A_9, %dma_start3A_87] : memref<8x8192xf32, #tpu.memory_space<vmem_shared>> -> memref<1x8192xf32, #tpu.memory_space<vmem_shared>>
          %dma_start3A_89 = tpu.memref_squeeze %dma_start3A_88 : memref<1x8192xf32, #tpu.memory_space<vmem_shared>> -> memref<8192xf32, #tpu.memory_space<vmem_shared>>
          tpu.enqueue_dma source(%arg10 : memref<8192xf32, #tpu.memory_space<vmem>>) target(%dma_start3A_89 : memref<8192xf32, #tpu.memory_space<vmem_shared>>) target_semaphore(%run_scoped3A : memref<!tpu.dma_semaphore, #tpu.memory_space<semaphore_mem>>)
          %dma_wait3A = arith.constant 0 : i32
          %dma_wait3A_90 = tpu.memref_slice %arg7[%and3A_9, %dma_wait3A] : memref<8x8192xf32, #tpu.memory_space<vmem_shared>> -> memref<1x8192xf32, #tpu.memory_space<vmem_shared>>
          %dma_wait3A_91 = tpu.memref_squeeze %dma_wait3A_90 : memref<1x8192xf32, #tpu.memory_space<vmem_shared>> -> memref<8192xf32, #tpu.memory_space<vmem_shared>>
          %dma_wait3A_92 = arith.constant 0 : i32
          %dma_wait3A_93 = tpu.memref_slice %arg7[%and3A_9, %dma_wait3A_92] : memref<8x8192xf32, #tpu.memory_space<vmem_shared>> -> memref<1x8192xf32, #tpu.memory_space<vmem_shared>>
          %dma_wait3A_94 = tpu.memref_squeeze %dma_wait3A_93 : memref<1x8192xf32, #tpu.memory_space<vmem_shared>> -> memref<8192xf32, #tpu.memory_space<vmem_shared>>
          tpu.wait_dma2 semaphore(%run_scoped3A : memref<!tpu.dma_semaphore, #tpu.memory_space<semaphore_mem>>) src(%arg10 : memref<8192xf32, #tpu.memory_space<vmem>>) dst(%dma_wait3A_94 : memref<8192xf32, #tpu.memory_space<vmem_shared>>)
          tpu.yield
        }) : () -> ()
      } else {
      }
      %barrier3A_79 = arith.constant 0 : index
      tpu.barrier barrier_id(%barrier3A_79)
      %eq3A_80 = arith.constant 8 : i32
      %eq3A_81 = arith.cmpi eq, %arg1, %eq3A_80 : i32
      %convert_element_type3A_82 = arith.extui %eq3A_81 : i1 to i32
      %cond3A_83 = arith.constant 0 : i32
      %cond3A_84 = arith.cmpi ne, %convert_element_type3A_82, %cond3A_83 : i32
      scf.if %cond3A_84 {
        "tpu.region"() ({
          %run_scoped3A = tpu.sem_alloc : memref<!tpu.dma_semaphore, #tpu.memory_space<semaphore_mem>>
          %dma_start3A = arith.constant 8192 : i32
          %dma_start3A_85 = tpu.memref_slice %arg5[%multiple_of3A, %dma_start3A] : memref<832x16384xf32, #tpu.memory_space<hbm>> -> memref<8x8192xf32, #tpu.memory_space<hbm>>
          tpu.enqueue_dma source(%arg7 : memref<8x8192xf32, #tpu.memory_space<vmem_shared>>) target(%dma_start3A_85 : memref<8x8192xf32, #tpu.memory_space<hbm>>) target_semaphore(%run_scoped3A : memref<!tpu.dma_semaphore, #tpu.memory_space<semaphore_mem>>)
          %dma_wait3A = arith.constant 8192 : i32
          %dma_wait3A_86 = tpu.memref_slice %arg5[%multiple_of3A, %dma_wait3A] : memref<832x16384xf32, #tpu.memory_space<hbm>> -> memref<8x8192xf32, #tpu.memory_space<hbm>>
          tpu.wait_dma2 semaphore(%run_scoped3A : memref<!tpu.dma_semaphore, #tpu.memory_space<semaphore_mem>>) src(%arg7 : memref<8x8192xf32, #tpu.memory_space<vmem_shared>>) dst(%dma_wait3A_86 : memref<8x8192xf32, #tpu.memory_space<hbm>>)
          tpu.yield
        }) : () -> ()
      } else {
      }
    }
    %scan3A_4 = arith.constant 52 : i32
    return
  }
}

</mosaic_0001>

<sc_bundles>
// kernel: kernel.3.cloned.1.call-start
scs
__scs_entry_jumppad:
0x0: {  	(pc) =	sbr.rel $0x88, $3  }
0x1: {  	(tag) =	ssettag $0x0;
	lr =	simm.s32 $0x1  }
0x2: {  	[smem:$0x3F9F] =	sst lr;
	_ =	strace $0xD0000000  }
0x3: {  	_ = 	snop  }
0x4: {  	_ = 	snop  }
0x5: {  	_ = 	snop  }
0x6: {  	_ = 	snop  }
0x7: {  	_ = 	snop  }
__scs_overlays_trampoline_lowered:
0x8: {  	[smem:$0x3FAE] =	sst s0  }
0x9: {  	[smem:$0x3FAF] =	sst s1  }
0xa: {  	[smem:$0x3FB0] =	sst s2  }
0xb: {  	[smem:$0x3FB1] =	sst s3  }
0xc: {  	[smem:$0x3FB2] =	sst s4  }
0xd: {  	[smem:$0x3FB3] =	sst s5  }
0xe: {  	[smem:$0x3FB4] =	sst s6  }
0xf: {  	[smem:$0x3FB5] =	sst s7  }
0x10: {  	[smem:$0x3FB6] =	sst s8  }
0x11: {  	[smem:$0x3FB7] =	sst s9;
	s0 =	simm.s32 @!p0 $0x0  }
0x12: {  	s1 =	sld [smem:$0x3F9D];
	s0 =	simm.s32 @p0 $0x1  }
0x13: {  	[smem:$0x3FB8] =	sst s0;
	s0 =	simm.s32 @!p1 $0x0  }
0x14: {  	s2 =	sld [smem:$0x3F9C];
	s0 =	simm.s32 @p1 $0x1  }
0x15: {  	[smem:$0x3FB9] =	sst s0;
	s0 =	simm.s32 @!p2 $0x0  }
0x16: {  	s3 =	sld [smem:$0x3FDB];
	s0 =	simm.s32 @p2 $0x1  }
0x17: {  	s4 =	simm.s32 $0x1BF5;
	[smem:$0x3FBB] =	sst s0  }
0x18: {  	s0 =	sld [smem:$0x3F9E];
	_ =	swait.ge [sflag:s4], $0x0  }
0x19: {  	s7 =	sld [smem:$0x3F9F]  }
0x1a: {  	s8 =	sadd.s32 $0xFFFFE003, lr  }
0x1b: {  	s9 =	sadd.s32 $0xFFFFFEF7, lr;
	s5 =	simm.s32 $0xFFFFFFFF;
	p2 =	slt.u32 s8, $0xFFFFF086  }
0x1c: {  	p1 =	slt.u32 s9, $0xF7A;
	s5 =	simm.s32 @!p2 $0x0  }
0x1d: {  	s5 =	simm.s32 @p1 $0x1;
	p0 =	seq.s32 s7, s2  }
0x1e: {  	s7 =	smul.u32 @!p0 $0xF7A, s2;
	p2 =	seq.s32 @!p0 s5, $0x0  }
0x1f: {  	s9 =	smul.u32 $0xF7A, s1;
	s8 =	simm.s32 @!p0 $0x1BF5;
	p2 =	por !p2, p0  }
0x20: {  	[sflag:s8] =	ssyncset.s32 @!p0 $0xFFFFF086;
	s6 =	sadd.s32 @!p0 s3, s7;
	s7 =	simm.s32 @!p0 $0x108  }
0x21: {  	s3 =	sadd.s32 s3, s9;
	s6 =	sadd.s32 @!p0 $0x88, s6;
	s7 =	simm.s32 @p2 $0x1082  }
0x22: {  	[simem:s7], [sflag:s8] =	dma.local @!p0 [hbm:s6], $0xF7A  }
0x23: {  	s9 =	sor.u32 $0xD0000000, s2;
	s6 =	simm.s32 $0x108;
	_ =	swait.ge @!p0 [sflag:s8], $0x0  }
0x24: {  	s3 =	sadd.s32 $0x88, s3;
	s6 =	simm.s32 @!p1 $0x1082;
	[sflag:s4] =	ssyncset.s32 $0xFFFFF086  }
0x25: {  	[simem:s6], [sflag:s4] =	dma.local [hbm:s3], $0xF7A  }
0x26: {  	[smem:$0x3F9F] =	sst s1;
	(tag) =	ssettag s2;
	_ =	strace s9  }
0x27: {  	s1 =	sld [smem:$0x3FAF]  }
0x28: {  	s2 =	sld [smem:$0x3FB0]  }
0x29: {  	s4 =	sld [smem:$0x3FB2]  }
0x2a: {  	p0 =	seq.s32 s5, $0x0;
	s5 =	sld [smem:$0x3FB3]  }
0x2b: {  	s6 =	sld [smem:$0x3FB4]  }
0x2c: {  	s7 =	sld [smem:$0x3FB5]  }
0x2d: {  	s3 =	simm.s32 $0x108;
	s8 =	sld [smem:$0x3FB6]  }
0x2e: {  	s3 =	simm.s32 @!p0 $0x1082;
	s9 =	sld [smem:$0x3FB7]  }
0x2f: {  	lr =	sadd.s32 s0, s3;
	s0 =	sld [smem:$0x3FAE]  }
0x30: {  	s3 =	sld [smem:$0x3FB1]  }
0x31: {  	[smem:$0x3FBA] =	sst s10  }
0x32: {  	s10 =	sld [smem:$0x3FB8];
	_ =	sdelay $0x3  }
0x33: {  	p0 =	seq.s32 s10, $0x1;
	s10 =	sld [smem:$0x3FBA];
	_ =	sdelay $0x3  }
0x34: {  	[smem:$0x3FBA] =	sst s10  }
0x35: {  	s10 =	sld [smem:$0x3FB9];
	_ =	sdelay $0x3  }
0x36: {  	p1 =	seq.s32 s10, $0x1;
	s10 =	sld [smem:$0x3FBA];
	_ =	sdelay $0x3  }
0x37: {  	[smem:$0x3FBA] =	sst s10  }
0x38: {  	s10 =	sld [smem:$0x3FBB]  }
0x39: {  	_ = 	snop;
	(pc) =	sbr.ind lr, $3  }
0x3a: {  	_ = 	snop  }
0x3b: {  	_ = 	snop  }
0x3c: {  	p2 =	seq.s32 s10, $0x1;
	s10 =	sld [smem:$0x3FBA]  }
0x3d: {  	_ =	shalt  }
0x3e: {  	_ =	shalt  }
0x3f: {  	_ =	shalt  }
0x40: {  	_ =	shalt  }
0x41: {  	_ =	shalt  }
0x42: {  	_ =	shalt  }
0x43: {  	_ =	shalt  }
0x44: {  	_ =	shalt  }
0x45: {  	_ =	shalt  }
0x46: {  	_ =	shalt  }
0x47: {  	_ =	shalt  }
0x48: {  	_ =	shalt  }
0x49: {  	_ =	shalt  }
0x4a: {  	_ =	shalt  }
0x4b: {  	_ =	shalt  }
0x4c: {  	_ =	shalt  }
0x4d: {  	_ =	shalt  }
0x4e: {  	_ =	shalt  }
0x4f: {  	_ =	shalt  }
0x50: {  	_ =	shalt  }
0x51: {  	_ =	shalt  }
0x52: {  	_ =	shalt  }
0x53: {  	_ =	shalt  }
0x54: {  	_ =	shalt  }
0x55: {  	_ =	shalt  }
0x56: {  	_ =	shalt  }
0x57: {  	_ =	shalt  }
0x58: {  	_ =	shalt  }
0x59: {  	_ =	shalt  }
0x5a: {  	_ =	shalt  }
0x5b: {  	_ =	shalt  }
0x5c: {  	_ =	shalt  }
0x5d: {  	_ =	shalt  }
0x5e: {  	_ =	shalt  }
0x5f: {  	_ =	shalt  }
0x60: {  	_ =	shalt  }
0x61: {  	_ =	shalt  }
0x62: {  	_ =	shalt  }
0x63: {  	_ =	shalt  }
0x64: {  	_ =	shalt  }
0x65: {  	_ =	shalt  }
0x66: {  	_ =	shalt  }
0x67: {  	_ =	shalt  }
0x68: {  	_ =	shalt  }
0x69: {  	_ =	shalt  }
0x6a: {  	_ =	shalt  }
0x6b: {  	_ =	shalt  }
0x6c: {  	_ =	shalt  }
0x6d: {  	_ =	shalt  }
0x6e: {  	_ =	shalt  }
0x6f: {  	_ =	shalt  }
0x70: {  	_ =	shalt  }
0x71: {  	_ =	shalt  }
0x72: {  	_ =	shalt  }
0x73: {  	_ =	shalt  }
0x74: {  	_ =	shalt  }
0x75: {  	_ =	shalt  }
0x76: {  	_ =	shalt  }
0x77: {  	_ =	shalt  }
0x78: {  	_ =	shalt  }
0x79: {  	_ =	shalt  }
0x7a: {  	_ =	shalt  }
0x7b: {  	_ =	shalt  }
0x7c: {  	_ =	shalt  }
0x7d: {  	_ =	shalt  }
0x7e: {  	_ =	shalt  }
0x7f: {  	_ =	shalt  }
0x80: {  	_ =	shalt  }
0x81: {  	_ =	shalt  }
0x82: {  	_ =	shalt  }
0x83: {  	_ =	shalt  }
0x84: {  	_ =	shalt  }
0x85: {  	_ =	shalt  }
0x86: {  	_ =	shalt  }
0x87: {  	_ =	shalt  }
.Lfunc_end0:
.L_simem_size_0:
called_computation_lowered:
.L_overlay_start_0:
0x88: {  	s2 =	sld [smem:$0x3FD9]  }
0x89: {  	s3 =	sld [smem:$0x3FFE];
	_ =	sdelay $0x1  }
0x8a: {  	s1 =	srdreg.scid  }
0x8b: {  	s0 =	sand.u32 $0x1, s1  }
0x8c: {  	s17 =	sshll.u32 s0, $0xA;
	s2 =	sadd.s32 s3, s2  }
0x8d: {  	s2 =	sadd.s32 s2, s17  }
0x8e: {  	[smem:$0x3FC6] =	sst s2  }
0x8f: {  	_ = 	snop  }
0x90: {  	s2 =	sld [smem:$0x3FC8]  }
0x91: {  	s18 =	sld [smem:$0x3FD0];
	(tm) =	ssettm $0x1  }
0x92: {  	s4 =	sld [smem:$0x3FFB];
	_ =	sdelay $0x3  }
0x93: {  	_ =	strace s4  }
0x94: {  	s4 =	sld [smem:$0x3FFC];
	_ =	sdelay $0x3  }
0x95: {  	_ =	strace s4  }
0x96: {  	s4 =	sld [smem:$0x3FFD];
	_ =	sdelay $0x3  }
0x97: {  	_ =	strace s4  }
0x98: {  	_ =	strace $0x8FFFFFFF  }
0x99: {  	s19 =	sld [smem:$0x3FDB];
	_ =	sdelay $0x1  }
0x9a: {  	s5 =	simm.s32 $_scs_section_size  }
0x9b: {  	s6 =	simm.s32 $_size__tile_overlayer_lowered;
	s7 =	simm.s32 $_tile_overlayer_lowered  }
0x9c: {  	s22 =	simm.s32 $0x1BFF;
	s21 =	sshll.u32 s7, $0x1;
	s4 =	sadd.s32 s5, s19  }
0x9d: {  	s8 =	simm.s32 $0x0;
	s20 =	sshll.u32 s6, $0x1;
	s6 =	sadd.s32 s21, s4  }
0x9e: {  	[timem:s8], [sflag:s22] =	dma.local [hbm:s6], s20  }
0x9f: {  	_ =	swait.ge [sflag:s22], s20  }
0xa0: {  	s5 =	ssub.s32 $0x0, s20;
	[sflag:s22] =	ssyncset.done $0x0  }
0xa1: {  	[sflag:s22] =	ssyncadd.s32 s5;
	_ =	sdelay $0x1  }
0xa2: {  	s23 =	simm.s32 $0x1B8B  }
0xa3: {  	_ =	swait.ge [sflag:s23], $0x1  }
0xa4: {  	[sflag:s23] =	ssyncset.done $0x0  }
0xa5: {  	s25 =	simm.s32 $0x1B8E;
	s24 =	sld [smem:$0x3FFE];
	[sflag:s23] =	ssyncadd.s32 $0xFFFFFFFF  }
0xa6: {  	s26 =	simm.s32 $execute0_lowered;
	[smem:$0x3FD2] =	sst s25  }
0xa7: {  	s6 =	sshll.u32 s26, $0x1;
	_ =	strace $0x80000046;
	[dreg:$0x1] =	wrdreg $0xFFFFFFFF  }
0xa8: {  	s28 =	simm.s32 $_size_execute0_lowered;
	s4 =	sadd.s32 s4, s6;
	[dreg:$0x0] =	wrdreg $0x0  }
0xa9: {  	s6 =	sshll.u32 s28, $0x1;
	[dreg:$0x2] =	wrdreg s4  }
0xaa: {  	[dreg:$0x3] =	wrdreg s6  }
0xab: {  	[dreg:$0x4] =	wrdreg $0xC0  }
0xac: {  	_ =	task [dreg:s8], $0x5FFFF  }
0xad: {  	[dreg:$0x1] =	wrdreg $0xFFFFFFFF  }
0xae: {  	[dreg:$0x0] =	wrdreg $0x60  }
0xaf: {  	[dreg:$0x2] =	wrdreg s2  }
0xb0: {  	[dreg:$0x3] =	wrdreg s24  }
0xb1: {  	[dreg:$0x4] =	wrdreg s18  }
0xb2: {  	[dreg:$0x5] =	wrdreg $0x0  }
0xb3: {  	[dreg:$0x6] =	wrdreg $0x27400  }
0xb4: {  	[dreg:$0x7] =	wrdreg $0x9  }
0xb5: {  	_ =	task.clear_ibuf [dreg:s8], $0x8FFFF;
	_ =	strace $0x90000046  }
0xb6: {  	s29 =	simm.s32 $0x9;
	_ =	strace $0x80000048  }
0xb7: {  	_ =	swait.ge [sflag:s29], $0x1  }
0xb8: {  	[sflag:s29] =	ssyncadd.s32 $0xFFFFFFFF  }
0xb9: {  	_ =	strace $0x90000048  }
0xba: {  	_ =	sfence  }
0xbb: {  	s30 =	sld [smem:$0x0];
	_ =	sdelay $0x2  }
0xbc: {  	s31 =	sshll.u32 s1, $0xD;
	s1 =	sshrl.u32 s1, $0x2  }
0xbd: {  	s3 =	sand.u32 $0x4000, s31;
	s1 =	sadd.s32 s1, s30  }
0xbe: {  	s0 =	sor.u32 s3, s0;
	s1 =	sshll.u32 s1, $0x11  }
0xbf: {  	s0 =	sor.u32 s1, s0  }
0xc0: {  	s0 =	sadd.s32 $0x8F2B, s0  }
0xc1: {  	[sflag:s0] =	ssyncadd.remote.s32 $0x1  }
0xc2: {  	_ =	sfence.sel $0xFFFF  }
0xc3: {  	[dreg:$0x0] =	wrdreg $0xFFFFFFFF;
	(pc) =	sbr.abs _section_cstart, $3  }
0xc4: {  	[dreg:$0x1] =	wrdreg $0xFFFFFFFF  }
0xc5: {  	_ =	task.clear_ibuf [dreg:s8], $0x2FFFF;
	_ =	strace $0x9FFFFFFF  }
0xc6: {  	(tm) =	ssettm $0x7FFFFFFF  }
0xc7: {  	_ =	shalt  }
tec
execute0_lowered:
.L_overlay_start_1:
0x0: {  	(tag) =	ssettag $0x1  }
0x1: {  	s1 =	rddreg [dreg:$0x0]  }
0x2: {  	s6 =	rddreg [dreg:$0x1]  }
0x3: {  	s0 =	rddreg [dreg:$0x2]  }
0x4: {  	s13 =	rddreg [dreg:$0x3]  }
0x5: {  	s3 =	rddreg [dreg:$0x4];
	s4 =	simm.s32 $0x0  }
0x6: {  	s2 =	stileid.u32;
	s7 =	srdreg.scid;
	s14 =	simm.s32 $0x80  }
0x7: {  	s15 =	simm.s32 $0x400;
	s16 =	simm.s32 $0x3740;
	s17 =	simm.s32 $0x2  }
0x8: {  	s18 =	simm.s32 $0xD440;
	s19 =	simm.s32 $0x17140;
	s20 =	simm.s32 $0x1BDC0  }
0x9: {  	s21 =	simm.s32 $0x1BE40;
	s5 =	stileid.u32;
	[smem:$0x7FF] =	sst s4  }
0xa: {  	s22 =	sshrl.u32 s2, $0x3;
	s7 =	sand.u32 $0x1, s7;
	s9 =	sand.u32 $0x7, s2  }
0xb: {  	p0 =	sne.s32 s2, $0x0;
	p2 =	seq.s32 s2, $0x0;
	p3 =	sne.s32 s2, $0x8  }
0xc: {  	_ =	strace $0x80000047;
	s8 =	sshll.u32 s22, $0xA;
	s10 =	ssub.s32 $0x2, s7  }
0xd: {  	s29 =	sshll.u32 s9, $0x2;
	s30 =	sshll.u32 s9, $0x7;
	p1 =	sne.s32 s22, $0x0  }
.Ltmp0:
0xe: {  	s22 =	simm.s32 $0x1DE40;
	s11 =	sadd.s32 s8, s6;
	(pc) =	sbr.rel .LBB2_1-.Ltmp0, $4  }
0xf: {  	s12 =	sshrl.u32 s10, $0x1;
	s8 =	sadd.s32 s29, s6;
	s6 =	smul.u32 $0x34, s7  }
0x10: {  	s7 =	sadd.s32 s30, s13;
	s13 =	sshrl.u32 @!p0 s13, $0x3;
	s12 =	ssub.s32 s10, s12  }
0x11: {  	s8 =	sadd.s32 $0x400, s8;
	s9 =	sadd.s32 $0x1200, s11;
	s31 =	smax.u32 s12, $0x1  }
0x12: {  	s10 =	sadd.s32 s30, s3;
	s11 =	sadd.s32 $0x2000, s0;
	[dreg:$0x6] =	wrdreg s31  }
.LBB2_12:
0x13: {  	s4 =	sadd.s32 $0x1, s4;
	s0 =	rddreg [dreg:$0x6]  }
0x14: {  	p4 =	sne.s32 s4, s0  }
.Ltmp1:
0x15: {  	_ = 	snop;
	(pc) =	sbr.rel @!p4 .LBB2_13-.Ltmp1, $1  }
0x16: {  	_ =	sdelay $0x3  }
.LBB2_1:
.Ltmp2:
0x17: {  	(pc) =	sbr.rel .LBB2_2-.Ltmp2, $2  }
0x18: {  	_ =	sdelay $0x2  }
0x19: {  	s23 =	simm.s32 $0x0  }
.LBB2_8:
0x1a: {  	s0 =	sshll.u32 s24, $0xE;
	s2 =	sshll.u32 s5, $0x6;
	s12 =	rddreg [dreg:$0x2]  }
0x1b: {  	s31 =	sshrl.u32 s3, $0x3;
	s0 =	sadd.s32 s12, s0;
	s2 =	sor.u32 $0x1C02, s2  }
0x1c: {  	[hbm:s0], [sflag:s2] =	dma.local [spmem:s31], $0x2000  }
0x1d: {  	_ =	swait.ge [sflag:s17], $0x2000  }
0x1e: {  	[sflag:s17] =	ssyncset.done $0x0  }
0x1f: {  	[sflag:s17] =	ssyncadd.s32 $0xFFFFE000  }
0x20: {  	[bflag:$0x0] =	sbarrier.arrive $0xFFFF  }
0x21: {  	[bflag:$0x0] =	sbarrier.arrive $0xFFFF  }
.LBB2_11:
0x22: {  	s23 =	sadd.s32 $0x1, s23  }
0x23: {  	p4 =	sne.s32 s23, $0x34  }
.Ltmp3:
0x24: {  	_ = 	snop;
	(pc) =	sbr.rel @!p4 .LBB2_12-.Ltmp3, $1  }
0x25: {  	_ =	sdelay $0x3  }
.LBB2_2:
0x26: {  	s24 =	sadd.s32 s6, s23  }
0x27: {  	s25 =	smul.u32 @!p0 $0x18700, s24;
	_ =	sdelay $0x1  }
0x28: {  	s26 =	simm.s32 @!p0 $0x1C02;
	s25 =	sadd.s32 @!p0 s1, s25  }
0x29: {  	[spmem:s13], [sflag:s26] =	dma.local @!p0 [hbm:s25], $0x4E80  }
0x2a: {  	s25 =	simm.s32 @!p0 $0x2  }
0x2b: {  	_ =	swait.ge @!p0 [sflag:s25], $0x4E80  }
0x2c: {  	[sflag:s25] =	ssyncset.done @!p0 $0x0  }
0x2d: {  	[sflag:s25] =	ssyncadd.s32 @!p0 $0xFFFFB180  }
0x2e: {  	[bflag:$0x0] =	sbarrier.arrive $0xFFFF  }
0x2f: {  	[tilespmem:s16], [sflag:$0x2] =	stream.strided.gather [spmem:s7], $0x4E80, s15, s14, $0x38;
	[tilespmem:$0x1FE40] =	vst v63  }
0x30: {  	_ =	swait.ge [sflag:s17], $0x4E80  }
0x31: {  	[sflag:s17] =	ssyncset.done $0x0  }
0x32: {  	[sflag:s17] =	ssyncadd.s32 $0xFFFFB180  }
0x33: {  	s28 =	simm.s32 @p0 $0x80;
	[bflag:$0x0] =	sbarrier.arrive $0xFFFF  }
0x34: {  	s29 =	simm.s32 @p0 $0x400;
	s30 =	simm.s32 @p0 $0x85C0;
	[bflag:$0x0] =	sbarrier.arrive @p0 $0xFFFF  }
0x35: {  	[tilespmem:s30], [sflag:$0x2] =	stream.strided.gather @p0 [spmem:s7], $0x4E80, s29, s28, $0x38;
	[tilespmem:$0x1FE40] =	vst v63  }
0x36: {  	s31 =	smul.u32 @!p0 $0xC3800, s24;
	s30 =	simm.s32 @p0 $0x2  }
0x37: {  	_ =	swait.ge @p0 [sflag:s30], $0x4E80  }
0x38: {  	s31 =	sshrl.u32 @!p0 s31, $0x3;
	[sflag:s30] =	ssyncset.done @p0 $0x0  }
0x39: {  	s31 =	sadd.s32 @!p0 s1, s31;
	[sflag:s30] =	ssyncadd.s32 @p0 $0xFFFFB180  }
0x3a: {  	s0 =	sadd.s32 @!p0 $0x4E80, s31;
	[bflag:$0x0] =	sbarrier.arrive @p0 $0xFFFF  }
0x3b: {  	[spmem:s13], [sflag:s26] =	dma.local @!p0 [hbm:s0], $0x4E80  }
0x3c: {  	_ =	swait.ge @!p0 [sflag:s25], $0x4E80  }
0x3d: {  	[sflag:s25] =	ssyncset.done @!p0 $0x0  }
0x3e: {  	s12 =	simm.s32 @!p0 $0x400;
	[sflag:s25] =	ssyncadd.s32 @!p0 $0xFFFFB180  }
0x3f: {  	s2 =	simm.s32 @!p0 $0x85C0;
	s0 =	simm.s32 @!p0 $0x80;
	[bflag:$0x0] =	sbarrier.arrive @!p0 $0xFFFF  }
0x40: {  	[tilespmem:s2], [sflag:$0x2] =	stream.strided.gather @!p0 [spmem:s7], $0x4E80, s12, s0, $0x38;
	[tilespmem:$0x1FE40] =	vst v63  }
0x41: {  	_ =	swait.ge @!p0 [sflag:s25], $0x4E80  }
0x42: {  	[sflag:s25] =	ssyncset.done @!p0 $0x0  }
0x43: {  	[sflag:s25] =	ssyncadd.s32 @!p0 $0xFFFFB180  }
0x44: {  	s2 =	sadd.s32 @!p0 $0x9D00, s31;
	[bflag:$0x0] =	sbarrier.arrive @!p0 $0xFFFF  }
0x45: {  	[spmem:s13], [sflag:s26] =	dma.local @!p0 [hbm:s2], $0x4E80  }
0x46: {  	_ =	swait.ge @!p0 [sflag:s25], $0x4E80  }
0x47: {  	[sflag:s25] =	ssyncset.done @!p0 $0x0  }
0x48: {  	[sflag:s25] =	ssyncadd.s32 @!p0 $0xFFFFB180  }
0x49: {  	[bflag:$0x0] =	sbarrier.arrive $0xFFFF  }
0x4a: {  	[tilespmem:s18], [sflag:$0x2] =	stream.strided.gather [spmem:s7], $0x4E80, s15, s14, $0x38;
	[tilespmem:$0x1FE40] =	vst v63  }
0x4b: {  	_ =	swait.ge [sflag:s17], $0x4E80  }
0x4c: {  	[sflag:s17] =	ssyncset.done $0x0  }
0x4d: {  	[sflag:s17] =	ssyncadd.s32 $0xFFFFB180  }
0x4e: {  	[bflag:$0x0] =	sbarrier.arrive $0xFFFF  }
0x4f: {  	s2 =	simm.s32 @p0 $0x122C0;
	[bflag:$0x0] =	sbarrier.arrive @p0 $0xFFFF  }
0x50: {  	[tilespmem:s2], [sflag:$0x2] =	stream.strided.gather @p0 [spmem:s7], $0x4E80, s29, s28, $0x38;
	[tilespmem:$0x1FE40] =	vst v63  }
0x51: {  	_ =	swait.ge @p0 [sflag:s30], $0x4E80  }
0x52: {  	[sflag:s30] =	ssyncset.done @p0 $0x0  }
0x53: {  	[sflag:s30] =	ssyncadd.s32 @p0 $0xFFFFB180  }
0x54: {  	s2 =	sadd.s32 @!p0 $0xEB80, s31;
	[bflag:$0x0] =	sbarrier.arrive @p0 $0xFFFF  }
0x55: {  	[spmem:s13], [sflag:s26] =	dma.local @!p0 [hbm:s2], $0x4E80  }
0x56: {  	_ =	swait.ge @!p0 [sflag:s25], $0x4E80  }
0x57: {  	[sflag:s25] =	ssyncset.done @!p0 $0x0  }
0x58: {  	[sflag:s25] =	ssyncadd.s32 @!p0 $0xFFFFB180  }
0x59: {  	s2 =	simm.s32 @!p0 $0x122C0;
	[bflag:$0x0] =	sbarrier.arrive @!p0 $0xFFFF  }
0x5a: {  	[tilespmem:s2], [sflag:$0x2] =	stream.strided.gather @!p0 [spmem:s7], $0x4E80, s12, s0, $0x38;
	[tilespmem:$0x1FE40] =	vst v63  }
0x5b: {  	_ =	swait.ge @!p0 [sflag:s25], $0x4E80  }
0x5c: {  	[sflag:s25] =	ssyncset.done @!p0 $0x0  }
0x5d: {  	[sflag:s25] =	ssyncadd.s32 @!p0 $0xFFFFB180  }
0x5e: {  	s0 =	sadd.s32 @!p0 $0x13A00, s31;
	[bflag:$0x0] =	sbarrier.arrive @!p0 $0xFFFF  }
0x5f: {  	[spmem:s13], [sflag:s26] =	dma.local @!p0 [hbm:s0], $0x4C80  }
0x60: {  	_ =	swait.ge @!p0 [sflag:s25], $0x4C80  }
0x61: {  	[sflag:s25] =	ssyncset.done @!p0 $0x0  }
0x62: {  	[sflag:s25] =	ssyncadd.s32 @!p0 $0xFFFFB380  }
0x63: {  	[bflag:$0x0] =	sbarrier.arrive $0xFFFF  }
0x64: {  	[tilespmem:s19], [sflag:$0x2] =	stream.strided.gather [spmem:s7], $0x4C80, s15, s14, $0x38;
	[tilespmem:$0x1FE40] =	vst v63  }
0x65: {  	_ =	swait.ge [sflag:s17], $0x4C80  }
0x66: {  	[sflag:s17] =	ssyncset.done $0x0  }
0x67: {  	s29 =	sshll.u32 s24, $0x5;
	[sflag:s17] =	ssyncadd.s32 $0xFFFFB380  }
0x68: {  	s30 =	simm.s32 $0x0;
	s0 =	sadd.s32 s29, s8;
	[bflag:$0x0] =	sbarrier.arrive $0xFFFF  }
0x69: {  	[tilespmem:s20], [sflag:$0x2] =	stream.linear.gather [hbm4b:s0+s30], $0x20, $0x38;
	[tilespmem:$0x1FE40] =	vst v63  }
0x6a: {  	s31 =	sshll.u32 s24, $0x9;
	_ =	swait.ge [sflag:s17], $0x20  }
0x6b: {  	s0 =	sand.u32 $0xF800, s31;
	[sflag:s17] =	ssyncset.done $0x0  }
0x6c: {  	s0 =	sadd.s32 s0, s9;
	[sflag:s17] =	ssyncadd.s32 $0xFFFFFFE0  }
0x6d: {  	[tilespmem:s21], [sflag:$0x2] =	stream.linear.gather [hbm4b:s0+s30], $0x2000, $0x38;
	[tilespmem:$0x1FE40] =	vst v63  }
0x6e: {  	_ =	swait.ge [sflag:s17], $0x2000  }
0x6f: {  	[sflag:s17] =	ssyncset.done $0x0  }
0x70: {  	s25 =	simm.s32 $0x0;
	[sflag:s17] =	ssyncadd.s32 $0xFFFFE000  }
0x71: {  	v0 =	vld [tilespmem:s25+$0x1BE40];
	_ =	sdelay $0x5  }
0x72: {  	v1 =	vld [tilespmem:s25+$0x1BE50];
	_ =	sdelay $0x1  }
0x73: {  	v0 =	vld.idx.msk [tilespmem:v0+s16+$0x0], $0xffff;
	_ =	sdelay $0x4  }
0x74: {  	[tilespmem:s25+$0x1DE40] =	vst v0;
	v0 =	vld [tilespmem:s25+$0x1BE60]  }
0x75: {  	v1 =	vld.idx.msk [tilespmem:v1+s16+$0x0], $0xffff;
	_ =	sdelay $0x4  }
0x76: {  	[tilespmem:s25+$0x1DE50] =	vst v1;
	v1 =	vld [tilespmem:s25+$0x1BE70];
	_ =	sdelay $0x1  }
0x77: {  	v0 =	vld.idx.msk [tilespmem:v0+s16+$0x0], $0xffff;
	_ =	sdelay $0x4  }
0x78: {  	[tilespmem:s25+$0x1DE60] =	vst v0;
	v0 =	vld [tilespmem:s25+$0x1BE80]  }
0x79: {  	v1 =	vld.idx.msk [tilespmem:v1+s16+$0x0], $0xffff;
	_ =	sdelay $0x4  }
0x7a: {  	[tilespmem:s25+$0x1DE70] =	vst v1;
	v1 =	vld [tilespmem:s25+$0x1BE90];
	_ =	sdelay $0x1  }
0x7b: {  	v0 =	vld.idx.msk [tilespmem:v0+s16+$0x0], $0xffff;
	_ =	sdelay $0x4  }
0x7c: {  	[tilespmem:s25+$0x1DE80] =	vst v0;
	v0 =	vld [tilespmem:s25+$0x1BEA0]  }
0x7d: {  	v1 =	vld.idx.msk [tilespmem:v1+s16+$0x0], $0xffff;
	_ =	sdelay $0x4  }
0x7e: {  	[tilespmem:s25+$0x1DE90] =	vst v1;
	v1 =	vld [tilespmem:s25+$0x1BEB0];
	_ =	sdelay $0x1  }
0x7f: {  	v0 =	vld.idx.msk [tilespmem:v0+s16+$0x0], $0xffff;
	_ =	sdelay $0x4  }
0x80: {  	[tilespmem:s25+$0x1DEA0] =	vst v0;
	v0 =	vld [tilespmem:s25+$0x1BEC0]  }
0x81: {  	v1 =	vld.idx.msk [tilespmem:v1+s16+$0x0], $0xffff;
	_ =	sdelay $0x4  }
0x82: {  	[tilespmem:s25+$0x1DEB0] =	vst v1;
	v1 =	vld [tilespmem:s25+$0x1BED0];
	_ =	sdelay $0x1  }
0x83: {  	v0 =	vld.idx.msk [tilespmem:v0+s16+$0x0], $0xffff;
	_ =	sdelay $0x4  }
0x84: {  	[tilespmem:s25+$0x1DEC0] =	vst v0;
	v0 =	vld [tilespmem:s25+$0x1BEE0]  }
0x85: {  	v1 =	vld.idx.msk [tilespmem:v1+s16+$0x0], $0xffff;
	_ =	sdelay $0x4  }
0x86: {  	[tilespmem:s25+$0x1DED0] =	vst v1;
	v1 =	vld [tilespmem:s25+$0x1BEF0];
	_ =	sdelay $0x1  }
0x87: {  	v0 =	vld.idx.msk [tilespmem:v0+s16+$0x0], $0xffff;
	_ =	sdelay $0x4  }
0x88: {  	[tilespmem:s25+$0x1DEE0] =	vst v0;
	v0 =	vld [tilespmem:s25+$0x1BF00]  }
0x89: {  	v1 =	vld.idx.msk [tilespmem:v1+s16+$0x0], $0xffff;
	_ =	sdelay $0x4  }
0x8a: {  	[tilespmem:s25+$0x1DEF0] =	vst v1;
	v1 =	vld [tilespmem:s25+$0x1BF10];
	_ =	sdelay $0x1  }
0x8b: {  	v0 =	vld.idx.msk [tilespmem:v0+s16+$0x0], $0xffff;
	_ =	sdelay $0x4  }
0x8c: {  	v2 =	vld [tilespmem:s25+$0x1BF20];
	[tilespmem:s25+$0x1DF00] =	vst v0  }
0x8d: {  	v0 =	vld.idx.msk [tilespmem:v1+s16+$0x0], $0xffff;
	_ =	sdelay $0x4  }
0x8e: {  	[tilespmem:s25+$0x1DF10] =	vst v0;
	v0 =	vld [tilespmem:s25+$0x1BF30];
	_ =	sdelay $0x1  }
0x8f: {  	v1 =	vld.idx.msk [tilespmem:v2+s16+$0x0], $0xffff;
	_ =	sdelay $0x3  }
0x90: {  	s28 =	simm.s32 $0x100;
	s26 =	simm.s32 $0x800  }
.LBB2_3:
0x91: {  	p4 =	sne.s32 s26, $0x7C00;
	v2 =	vld [tilespmem:s28+$0x1BE40];
	[tilespmem:s25+$0x1DF20] =	vst v1  }
0x92: {  	v0 =	vld.idx.msk [tilespmem:v0+s16+$0x0], $0xffff;
	_ =	sdelay $0x5  }
0x93: {  	v1 =	vld [tilespmem:s28+$0x1BE50];
	[tilespmem:s25+$0x1DF30] =	vst v0;
	s25 =	smov.u32 s28  }
0x94: {  	v0 =	vld.idx.msk [tilespmem:v2+s16+$0x0], $0xffff;
	_ =	sdelay $0x5  }
0x95: {  	[tilespmem:s25+$0x1DE40] =	vst v0;
	v0 =	vld [tilespmem:s25+$0x1BE60]  }
0x96: {  	v1 =	vld.idx.msk [tilespmem:v1+s16+$0x0], $0xffff;
	_ =	sdelay $0x5  }
0x97: {  	[tilespmem:s25+$0x1DE50] =	vst v1;
	v1 =	vld [tilespmem:s25+$0x1BE70]  }
0x98: {  	v0 =	vld.idx.msk [tilespmem:v0+s16+$0x0], $0xffff;
	_ =	sdelay $0x5  }
0x99: {  	[tilespmem:s25+$0x1DE60] =	vst v0;
	v0 =	vld [tilespmem:s25+$0x1BE80]  }
0x9a: {  	v1 =	vld.idx.msk [tilespmem:v1+s16+$0x0], $0xffff;
	_ =	sdelay $0x5  }
0x9b: {  	[tilespmem:s25+$0x1DE70] =	vst v1;
	v1 =	vld [tilespmem:s25+$0x1BE90]  }
0x9c: {  	v0 =	vld.idx.msk [tilespmem:v0+s16+$0x0], $0xffff;
	_ =	sdelay $0x5  }
0x9d: {  	[tilespmem:s25+$0x1DE80] =	vst v0;
	v0 =	vld [tilespmem:s25+$0x1BEA0]  }
0x9e: {  	v1 =	vld.idx.msk [tilespmem:v1+s16+$0x0], $0xffff;
	_ =	sdelay $0x5  }
0x9f: {  	[tilespmem:s25+$0x1DE90] =	vst v1;
	v1 =	vld [tilespmem:s25+$0x1BEB0]  }
0xa0: {  	v0 =	vld.idx.msk [tilespmem:v0+s16+$0x0], $0xffff;
	_ =	sdelay $0x5  }
0xa1: {  	[tilespmem:s25+$0x1DEA0] =	vst v0;
	v0 =	vld [tilespmem:s25+$0x1BEC0]  }
0xa2: {  	v1 =	vld.idx.msk [tilespmem:v1+s16+$0x0], $0xffff;
	_ =	sdelay $0x5  }
0xa3: {  	[tilespmem:s25+$0x1DEB0] =	vst v1;
	v1 =	vld [tilespmem:s25+$0x1BED0]  }
0xa4: {  	v0 =	vld.idx.msk [tilespmem:v0+s16+$0x0], $0xffff;
	_ =	sdelay $0x5  }
0xa5: {  	[tilespmem:s25+$0x1DEC0] =	vst v0;
	v0 =	vld [tilespmem:s25+$0x1BEE0]  }
0xa6: {  	v1 =	vld.idx.msk [tilespmem:v1+s16+$0x0], $0xffff;
	_ =	sdelay $0x5  }
0xa7: {  	[tilespmem:s25+$0x1DED0] =	vst v1;
	v1 =	vld [tilespmem:s25+$0x1BEF0]  }
0xa8: {  	v0 =	vld.idx.msk [tilespmem:v0+s16+$0x0], $0xffff;
	_ =	sdelay $0x5  }
0xa9: {  	[tilespmem:s25+$0x1DEE0] =	vst v0;
	v0 =	vld [tilespmem:s25+$0x1BF00]  }
0xaa: {  	v1 =	vld.idx.msk [tilespmem:v1+s16+$0x0], $0xffff;
	_ =	sdelay $0x5  }
0xab: {  	[tilespmem:s25+$0x1DEF0] =	vst v1;
	v1 =	vld [tilespmem:s25+$0x1BF10]  }
0xac: {  	v0 =	vld.idx.msk [tilespmem:v0+s16+$0x0], $0xffff;
	_ =	sdelay $0x5  }
0xad: {  	[tilespmem:s25+$0x1DF00] =	vst v0;
	v2 =	vld [tilespmem:s25+$0x1BF20]  }
0xae: {  	v0 =	vld.idx.msk [tilespmem:v1+s16+$0x0], $0xffff;
	_ =	sdelay $0x5  }
0xaf: {  	[tilespmem:s25+$0x1DF10] =	vst v0;
	v0 =	vld [tilespmem:s25+$0x1BF30]  }
0xb0: {  	v1 =	vld.idx.msk [tilespmem:v2+s16+$0x0], $0xffff  }
.Ltmp4:
0xb1: {  	(pc) =	sbr.rel @p4 .LBB2_3-.Ltmp4, $2  }
0xb2: {  	_ =	sdelay $0x2  }
0xb3: {  	s28 =	sshra.s32 s26, $0x2;
	s26 =	sadd.s32 $0x400, s26  }
0xb4: {  	_ =	sdelay $0x1  }
0xb5: {  	v2 =	vld [tilespmem:s28+$0x1BE40]  }
0xb6: {  	[tilespmem:s25+$0x1DF20] =	vst v1  }
0xb7: {  	v0 =	vld.idx.msk [tilespmem:v0+s16+$0x0], $0xffff;
	_ =	sdelay $0x3  }
0xb8: {  	v1 =	vld [tilespmem:s28+$0x1BE50]  }
0xb9: {  	[tilespmem:s25+$0x1DF30] =	vst v0  }
0xba: {  	v0 =	vld.idx.msk [tilespmem:v2+s16+$0x0], $0xffff;
	_ =	sdelay $0x3  }
0xbb: {  	v50 =	vld [tilespmem:s28+$0x1BE60]  }
0xbc: {  	[tilespmem:s28+$0x1DE40] =	vst v0  }
0xbd: {  	v1 =	vld.idx.msk [tilespmem:v1+s16+$0x0], $0xffff;
	_ =	sdelay $0x3  }
0xbe: {  	v51 =	vld [tilespmem:s28+$0x1BE70]  }
0xbf: {  	[tilespmem:s28+$0x1DE50] =	vst v1  }
0xc0: {  	v0 =	vld.idx.msk [tilespmem:v50+s16+$0x0], $0xffff;
	_ =	sdelay $0x3  }
0xc1: {  	v52 =	vld [tilespmem:s28+$0x1BE80]  }
0xc2: {  	[tilespmem:s28+$0x1DE60] =	vst v0  }
0xc3: {  	v1 =	vld.idx.msk [tilespmem:v51+s16+$0x0], $0xffff;
	_ =	sdelay $0x3  }
0xc4: {  	v53 =	vld [tilespmem:s28+$0x1BE90]  }
0xc5: {  	[tilespmem:s28+$0x1DE70] =	vst v1  }
0xc6: {  	v0 =	vld.idx.msk [tilespmem:v52+s16+$0x0], $0xffff;
	_ =	sdelay $0x3  }
0xc7: {  	v54 =	vld [tilespmem:s28+$0x1BEA0]  }
0xc8: {  	[tilespmem:s28+$0x1DE80] =	vst v0  }
0xc9: {  	v1 =	vld.idx.msk [tilespmem:v53+s16+$0x0], $0xffff;
	_ =	sdelay $0x3  }
0xca: {  	v55 =	vld [tilespmem:s28+$0x1BEB0]  }
0xcb: {  	[tilespmem:s28+$0x1DE90] =	vst v1  }
0xcc: {  	v0 =	vld.idx.msk [tilespmem:v54+s16+$0x0], $0xffff;
	_ =	sdelay $0x3  }
0xcd: {  	v56 =	vld [tilespmem:s28+$0x1BEC0]  }
0xce: {  	[tilespmem:s28+$0x1DEA0] =	vst v0  }
0xcf: {  	v1 =	vld.idx.msk [tilespmem:v55+s16+$0x0], $0xffff;
	_ =	sdelay $0x3  }
0xd0: {  	v57 =	vld [tilespmem:s28+$0x1BED0]  }
0xd1: {  	[tilespmem:s28+$0x1DEB0] =	vst v1  }
0xd2: {  	v0 =	vld.idx.msk [tilespmem:v56+s16+$0x0], $0xffff;
	_ =	sdelay $0x3  }
0xd3: {  	v58 =	vld [tilespmem:s28+$0x1BEE0]  }
0xd4: {  	[tilespmem:s28+$0x1DEC0] =	vst v0  }
0xd5: {  	v1 =	vld.idx.msk [tilespmem:v57+s16+$0x0], $0xffff;
	_ =	sdelay $0x3  }
0xd6: {  	v59 =	vld [tilespmem:s28+$0x1BEF0]  }
0xd7: {  	[tilespmem:s28+$0x1DED0] =	vst v1  }
0xd8: {  	v0 =	vld.idx.msk [tilespmem:v58+s16+$0x0], $0xffff;
	_ =	sdelay $0x3  }
0xd9: {  	v60 =	vld [tilespmem:s28+$0x1BF00]  }
0xda: {  	[tilespmem:s28+$0x1DEE0] =	vst v0  }
0xdb: {  	v1 =	vld.idx.msk [tilespmem:v59+s16+$0x0], $0xffff;
	_ =	sdelay $0x3  }
0xdc: {  	v61 =	vld [tilespmem:s28+$0x1BF10]  }
0xdd: {  	[tilespmem:s28+$0x1DEF0] =	vst v1  }
0xde: {  	v0 =	vld.idx.msk [tilespmem:v60+s16+$0x0], $0xffff;
	_ =	sdelay $0x3  }
0xdf: {  	v62 =	vld [tilespmem:s28+$0x1BF20]  }
0xe0: {  	[tilespmem:s28+$0x1DF00] =	vst v0  }
0xe1: {  	v1 =	vld.idx.msk [tilespmem:v61+s16+$0x0], $0xffff;
	_ =	sdelay $0x3  }
0xe2: {  	v63 =	vld [tilespmem:s28+$0x1BF30]  }
0xe3: {  	[tilespmem:s28+$0x1DF10] =	vst v1  }
0xe4: {  	v0 =	vld.idx.msk [tilespmem:v62+s16+$0x0], $0xffff;
	_ =	sdelay $0x4  }
0xe5: {  	[tilespmem:s28+$0x1DF20] =	vst v0  }
0xe6: {  	v0 =	vld.idx.msk [tilespmem:v63+s16+$0x0], $0xffff  }
.Ltmp5:
0xe7: {  	_ = 	snop;
	(pc) =	sbr.rel @!p1 .LBB2_5-.Ltmp5, $2  }
0xe8: {  	_ =	sdelay $0x2  }
0xe9: {  	[tilespmem:s28+$0x1DF30] =	vst v0  }
.Ltmp6:
0xea: {  	(pc) =	sbr.rel @!p0 .LBB2_8-.Ltmp6, $2  }
0xeb: {  	_ =	sdelay $0x1  }
0xec: {  	[bflag:$0x0] =	sbarrier.arrive $0xFFFF;
	_ =	sdelay $0x1  }
.Ltmp7:
0xed: {  	[bflag:$0x0] =	sbarrier.arrive $0xFFFF;
	(pc) =	sbr.rel .LBB2_10-.Ltmp7, $4  }
0xee: {  	[spmem:s10] =	stream.strided.scatter [tilespmem:s22], [sflag:$0x2], $0x2000, s15, s14, $0x38;
	[tilespmem:$0x1FE40] =	vst v63  }
0xef: {  	_ =	swait.ge [sflag:s17], $0x2000  }
0xf0: {  	[sflag:s17] =	ssyncset.done $0x0  }
0xf1: {  	[sflag:s17] =	ssyncadd.s32 $0xFFFFE000  }
.LBB2_5:
0xf2: {  	[spmem:s10] =	stream.strided.scatter [tilespmem:s22], [sflag:$0x2], $0x2000, s15, s14, $0x38;
	[tilespmem:$0x1FE40] =	vst v63  }
.Ltmp8:
0xf3: {  	_ =	swait.ge [sflag:s17], $0x2000;
	(pc) =	sbr.rel @p2 .LBB2_8-.Ltmp8, $3  }
0xf4: {  	[sflag:s17] =	ssyncset.done $0x0  }
0xf5: {  	[sflag:s17] =	ssyncadd.s32 $0xFFFFE000  }
0xf6: {  	[bflag:$0x0] =	sbarrier.arrive $0xFFFF;
	_ =	sdelay $0x1  }
0xf7: {  	[bflag:$0x0] =	sbarrier.arrive $0xFFFF  }
.LBB2_10:
0xf8: {  	[bflag:$0x0] =	sbarrier.arrive $0xFFFF;
	s0 =	sshll.u32 @!p3 s24, $0xE  }
0xf9: {  	s2 =	sshrl.u32 @!p3 s3, $0x3;
	s12 =	simm.s32 @!p3 $0x1E01;
	s0 =	sadd.s32 @!p3 s0, s11  }
0xfa: {  	[hbm:s0], [sflag:s12] =	dma.local @!p3 [spmem:s2], $0x2000  }
.Ltmp9:
0xfb: {  	_ = 	snop;
	(pc) =	sbr.rel .LBB2_11-.Ltmp9, $4  }
0xfc: {  	s0 =	simm.s32 @!p3 $0x1  }
0xfd: {  	_ =	swait.ge @!p3 [sflag:s0], $0x2000  }
0xfe: {  	[sflag:s0] =	ssyncset.done @!p3 $0x0  }
0xff: {  	[sflag:s0] =	ssyncadd.s32 @!p3 $0xFFFFE000  }
.LBB2_13:
0x100: {  	_ =	sfence.sel $0x180000  }
0x101: {  	[bflag:$0x0] =	sbarrier.arrive $0xFFFF  }
0x102: {  	_ =	strace $0x90000047  }
0x103: {  	[bflag:$0x2] =	sbarrier.arrive $0xFFFF  }
0x104: {  	s0 =	rddreg [dreg:$0x5]  }
0x105: {  	s0 =	sadd.s32 @!p0 $0x100000, s0  }
0x106: {  	[sflag:s0] =	ssyncadd.tile.s32 @!p0 $0x1;
	_ =	shalt  }
.Lfunc_end2:
_tile_overlayer_lowered:
.L_overlay_start_2:
0x107: {  	(tag) =	ssettag $0x2  }
0x108: {  	s0 =	rddreg [dreg:$0x0];
	s2 =	stileid.u32  }
0x109: {  	s1 =	rddreg [dreg:$0x1];
	p0 =	sne.s32 s2, $0x0  }
0x10a: {  	s3 =	rddreg [dreg:$0x2];
	[bflag:$0x3] =	sbarrier.arrive $0xFFFF;
	s2 =	simm.s32 @!p0 $0x1C01  }
0x10b: {  	[timem:s3], [sflag:s2] =	dma.local @!p0 [hbm:s0], s1  }
0x10c: {  	s0 =	simm.s32 @!p0 $0x1  }
0x10d: {  	_ =	swait.ge @!p0 [sflag:s0], s1  }
0x10e: {  	s1 =	ssub.s32 @!p0 $0x0, s1;
	[sflag:s0] =	ssyncset.done @!p0 $0x0  }
0x10f: {  	[sflag:s0] =	ssyncadd.s32 @!p0 s1  }
0x110: {  	[bflag:$0x3] =	sbarrier.arrive $0xFFFF  }
0x111: {  	_ =	shalt  }

</sc_bundles>
